<compile_context>
chip_gen: v7x
topology: tpu7x:2x2x1
jax: 0.10.2.dev20260603
libtpu: 0.0.44.dev20260713+nightly
codegen_flags: <defaults>
</compile_context>

<pallas_src>
import functools

import jax
import jax.numpy as jnp
from jax import lax
from jax.experimental import pallas as pl
from jax.experimental.pallas import tpu as pltpu
from jax.experimental.pallas import tpu_sc as plsc

NC = 2
NS = 16
NW = NC * NS
CHUNK = 128
PD = 128


def kernel(head, relation, tail, timestamp, entity_table, relation_table, timestamp_table):
    B = head.shape[0]
    NE, D = entity_table.shape
    b_per_w = B // NW
    nch = b_per_w // CHUNK

    pad = lambda t: jnp.pad(t, ((0, 0), (0, PD - D)))
    ent_p = pad(entity_table)
    rel_p = pad(relation_table)
    ts_p = pad(timestamp_table)

    eidx = jnp.concatenate(
        [head.reshape(NW, nch, CHUNK), tail.reshape(NW, nch, CHUNK)], axis=1)
    sidx = jnp.concatenate(
        [relation.reshape(NW, nch, CHUNK), timestamp.reshape(NW, nch, CHUNK)], axis=1)

    mesh = plsc.VectorSubcoreMesh(core_axis_name="c", subcore_axis_name="s")

    @functools.partial(
        pl.kernel,
        mesh=mesh,
        out_type=[jax.ShapeDtypeStruct((B, PD), jnp.float32)] * 4,
        scratch_types=[
            pltpu.VMEM((2 * nch, CHUNK), jnp.int32),
            pltpu.VMEM((2 * nch, CHUNK), jnp.int32),
            pltpu.VMEM((2, CHUNK, PD), jnp.float32),
            pltpu.VMEM((2, CHUNK, PD), jnp.float32),
            pltpu.SemaphoreType.DMA,
            pltpu.SemaphoreType.DMA,
            pltpu.SemaphoreType.DMA,
            pltpu.SemaphoreType.DMA,
        ],
    )
    def gather4(e_i, s_i, ent, rel, tst,
                out_h, out_t, out_r, out_ts,
                eidx_v, sidx_v, erows_v, rrows_v, gsem0, gsem1, ssem0, ssem1):
        gsems = [gsem0, gsem1]
        ssems = [ssem0, ssem1]
        wid = lax.axis_index("s") * NC + lax.axis_index("c")
        pltpu.sync_copy(e_i.at[wid], eidx_v)
        pltpu.sync_copy(s_i.at[wid], sidx_v)

        def fire(c, b):
            pltpu.async_copy(ent.at[eidx_v.at[c]], erows_v.at[b], gsems[b])

        def drain(b):
            pltpu.make_async_copy(
                ent.at[eidx_v.at[0]], erows_v.at[b], gsems[b]).wait()

        def copy_out(c, b):
            cc = c - (c >= nch) * nch
            base = wid * b_per_w + cc * CHUNK

            @pl.when(c < nch)
            def _():
                pltpu.sync_copy(erows_v.at[b], out_h.at[pl.ds(base, CHUNK)])

            @pl.when(c >= nch)
            def _():
                pltpu.sync_copy(erows_v.at[b], out_t.at[pl.ds(base, CHUNK)])

        n_e = 2 * nch
        fire(0, 0)

        def ebody(c2, _):
            c = 2 * c2
            fire(c + 1, 1)
            drain(0)
            copy_out(c, 0)

            @pl.when(c + 2 < n_e)
            def _():
                fire(c + 2, 0)

            drain(1)
            copy_out(c + 1, 1)
            return _

        lax.fori_loop(0, n_e // 2, ebody, None)

        for t, (tab, out) in enumerate([(rel, out_r), (tst, out_ts)]):
            pltpu.async_copy(tab.at[sidx_v.at[t * nch]], rrows_v.at[0], ssems[0])
            for c in range(nch):
                b = c % 2
                if c + 1 < nch:
                    pltpu.async_copy(
                        tab.at[sidx_v.at[t * nch + c + 1]], rrows_v.at[1 - b], ssems[1 - b])
                pltpu.make_async_copy(
                    tab.at[sidx_v.at[0]], rrows_v.at[b], ssems[b]).wait()
                pltpu.sync_copy(rrows_v.at[b],
                                out.at[pl.ds(wid * b_per_w + c * CHUNK, CHUNK)])

    o_h, o_t, o_r, o_ts = gather4(eidx, sidx, ent_p, rel_p, ts_p)
    return (o_h[:, :D], o_r[:, :D], o_t[:, :D], o_ts[:, :D])

# --- scband reference (transcript-rebuilt; emitter-appended) ---
"""Pipeline reference for scband-pretrained-tkgembedding-with-timestamps-86363202388692 (READ-ONLY COPY).

The authoritative reference and input builder live on the scoring server;
editing this copy changes nothing except your own understanding.
"""

import jax, jax.numpy as jnp
import numpy as np

NUM_ENTITIES = 1000000
NUM_RELATIONS = 1000
NUM_TIMESTAMPS = 10000
EMBED_DIM = 64
BATCH = 16384


def setup_inputs(seed: int = 0) -> dict:
    key = jax.random.key(seed)
    k1, k2, k3, k4, k5, k6, k7 = jax.random.split(key, 7)
    head = jax.random.randint(k1, (BATCH,), 0, NUM_ENTITIES, dtype=jnp.int32)
    relation = jax.random.randint(k2, (BATCH,), 0, NUM_RELATIONS, dtype=jnp.int32)
    tail = jax.random.randint(k3, (BATCH,), 0, NUM_ENTITIES, dtype=jnp.int32)
    timestamp = jax.random.randint(k4, (BATCH,), 0, NUM_TIMESTAMPS, dtype=jnp.int32)
    entity_table = jax.random.normal(k5, (NUM_ENTITIES, EMBED_DIM), dtype=jnp.float32)
    relation_table = jax.random.normal(k6, (NUM_RELATIONS, EMBED_DIM), dtype=jnp.float32)
    timestamp_table = jax.random.normal(k7, (NUM_TIMESTAMPS, EMBED_DIM), dtype=jnp.float32)
    return {
        "head": head,
        "relation": relation,
        "tail": tail,
        "timestamp": timestamp,
        "entity_table": entity_table,
        "relation_table": relation_table,
        "timestamp_table": timestamp_table,
    }


def reference(head, relation, tail, timestamp, entity_table, relation_table, timestamp_table):
    head_emb = jnp.take(entity_table, head, axis=0)
    relation_emb = jnp.take(relation_table, relation, axis=0)
    tail_emb = jnp.take(entity_table, tail, axis=0)
    timestamp_emb = jnp.take(timestamp_table, timestamp, axis=0)
    return (head_emb, relation_emb, tail_emb, timestamp_emb)

if __name__ == "__main__":
    import jax
    _d = setup_inputs()
    print(jax.jit(kernel)(*tuple(_d.values())))

</pallas_src>

<mosaic_0001>
#map = affine_map<(d0, d1) -> (0, 0, 0)>
#map1 = affine_map<(d0, d1) -> (0, 0)>
module attributes {stable_mosaic.version = 14 : i64} {
  func.func @gather4(%arg0: i32, %arg1: i32, %arg2: memref<32x8x128xi32, #tpu.memory_space<hbm>>, %arg3: memref<32x8x128xi32, #tpu.memory_space<hbm>>, %arg4: memref<1000000x128xf32, #tpu.memory_space<hbm>>, %arg5: memref<1000x128xf32, #tpu.memory_space<hbm>>, %arg6: memref<10000x128xf32, #tpu.memory_space<hbm>>, %arg7: memref<16384x128xf32, #tpu.memory_space<hbm>>, %arg8: memref<16384x128xf32, #tpu.memory_space<hbm>>, %arg9: memref<16384x128xf32, #tpu.memory_space<hbm>>, %arg10: memref<16384x128xf32, #tpu.memory_space<hbm>>, %arg11: memref<8x128xi32, #tpu.memory_space<vmem>>, %arg12: memref<8x128xi32, #tpu.memory_space<vmem>>, %arg13: memref<2x128x128xf32, #tpu.memory_space<vmem>>, %arg14: memref<2x128x128xf32, #tpu.memory_space<vmem>>, %arg15: memref<!tpu.dma_semaphore, #tpu.memory_space<semaphore_mem>>, %arg16: memref<!tpu.dma_semaphore, #tpu.memory_space<semaphore_mem>>, %arg17: memref<!tpu.dma_semaphore, #tpu.memory_space<semaphore_mem>>, %arg18: memref<!tpu.dma_semaphore, #tpu.memory_space<semaphore_mem>>) attributes {dimension_semantics = [#tpu.dimension_semantics<core_parallel>, #tpu.dimension_semantics<subcore_parallel>], iteration_bounds = array<i64: 2, 16>, scalar_prefetch = 0 : i64, scratch_operands = 8 : i64, tpu.core_type = #tpu.core_type<sc_vector_subcore>, window_params = [{transform_indices = #map}, {transform_indices = #map}, {transform_indices = #map1}, {transform_indices = #map1}, {transform_indices = #map1}, {transform_indices = #map1}, {transform_indices = #map1}, {transform_indices = #map1}, {transform_indices = #map1}]} {
    %mul3A = arith.constant 2 : i32
    %mul3A_0 = arith.muli %arg1, %mul3A : i32
    %add3A = arith.addi %mul3A_0, %arg0 : i32
    "tpu.region"() ({
      %run_scoped3A_246 = tpu.sem_alloc : memref<!tpu.dma_semaphore, #tpu.memory_space<semaphore_mem>>
      %dma_start3A_247 = arith.constant 0 : i32
      %dma_start3A_248 = arith.constant 0 : i32
      %dma_start3A_249 = tpu.memref_slice %arg2[%add3A, %dma_start3A_247, %dma_start3A_248] : memref<32x8x128xi32, #tpu.memory_space<hbm>> -> memref<1x8x128xi32, #tpu.memory_space<hbm>>
      %dma_start3A_250 = tpu.memref_squeeze %dma_start3A_249 : memref<1x8x128xi32, #tpu.memory_space<hbm>> -> memref<8x128xi32, #tpu.memory_space<hbm>>
      %dma_start3A_251 = arith.constant 0 : i32
      %dma_start3A_252 = arith.constant 0 : i32
      %dma_start3A_253 = tpu.memref_slice %arg2[%add3A, %dma_start3A_251, %dma_start3A_252] : memref<32x8x128xi32, #tpu.memory_space<hbm>> -> memref<1x8x128xi32, #tpu.memory_space<hbm>>
      %dma_start3A_254 = tpu.memref_squeeze %dma_start3A_253 : memref<1x8x128xi32, #tpu.memory_space<hbm>> -> memref<8x128xi32, #tpu.memory_space<hbm>>
      tpu.enqueue_dma source(%dma_start3A_254 : memref<8x128xi32, #tpu.memory_space<hbm>>) target(%arg11 : memref<8x128xi32, #tpu.memory_space<vmem>>) target_semaphore(%run_scoped3A_246 : memref<!tpu.dma_semaphore, #tpu.memory_space<semaphore_mem>>)
      %dma_wait3A_255 = arith.constant 0 : i32
      %dma_wait3A_256 = arith.constant 0 : i32
      %dma_wait3A_257 = tpu.memref_slice %arg2[%add3A, %dma_wait3A_255, %dma_wait3A_256] : memref<32x8x128xi32, #tpu.memory_space<hbm>> -> memref<1x8x128xi32, #tpu.memory_space<hbm>>
      %dma_wait3A_258 = tpu.memref_squeeze %dma_wait3A_257 : memref<1x8x128xi32, #tpu.memory_space<hbm>> -> memref<8x128xi32, #tpu.memory_space<hbm>>
      %dma_wait3A_259 = arith.constant 0 : i32
      %dma_wait3A_260 = arith.constant 0 : i32
      %dma_wait3A_261 = tpu.memref_slice %arg2[%add3A, %dma_wait3A_259, %dma_wait3A_260] : memref<32x8x128xi32, #tpu.memory_space<hbm>> -> memref<1x8x128xi32, #tpu.memory_space<hbm>>
      %dma_wait3A_262 = tpu.memref_squeeze %dma_wait3A_261 : memref<1x8x128xi32, #tpu.memory_space<hbm>> -> memref<8x128xi32, #tpu.memory_space<hbm>>
      tpu.wait_dma2 semaphore(%run_scoped3A_246 : memref<!tpu.dma_semaphore, #tpu.memory_space<semaphore_mem>>) src(%dma_wait3A_262 : memref<8x128xi32, #tpu.memory_space<hbm>>) dst(%arg11 : memref<8x128xi32, #tpu.memory_space<vmem>>)
      tpu.yield
    }) : () -> ()
    "tpu.region"() ({
      %run_scoped3A_246 = tpu.sem_alloc : memref<!tpu.dma_semaphore, #tpu.memory_space<semaphore_mem>>
      %dma_start3A_247 = arith.constant 0 : i32
      %dma_start3A_248 = arith.constant 0 : i32
      %dma_start3A_249 = tpu.memref_slice %arg3[%add3A, %dma_start3A_247, %dma_start3A_248] : memref<32x8x128xi32, #tpu.memory_space<hbm>> -> memref<1x8x128xi32, #tpu.memory_space<hbm>>
      %dma_start3A_250 = tpu.memref_squeeze %dma_start3A_249 : memref<1x8x128xi32, #tpu.memory_space<hbm>> -> memref<8x128xi32, #tpu.memory_space<hbm>>
      %dma_start3A_251 = arith.constant 0 : i32
      %dma_start3A_252 = arith.constant 0 : i32
      %dma_start3A_253 = tpu.memref_slice %arg3[%add3A, %dma_start3A_251, %dma_start3A_252] : memref<32x8x128xi32, #tpu.memory_space<hbm>> -> memref<1x8x128xi32, #tpu.memory_space<hbm>>
      %dma_start3A_254 = tpu.memref_squeeze %dma_start3A_253 : memref<1x8x128xi32, #tpu.memory_space<hbm>> -> memref<8x128xi32, #tpu.memory_space<hbm>>
      tpu.enqueue_dma source(%dma_start3A_254 : memref<8x128xi32, #tpu.memory_space<hbm>>) target(%arg12 : memref<8x128xi32, #tpu.memory_space<vmem>>) target_semaphore(%run_scoped3A_246 : memref<!tpu.dma_semaphore, #tpu.memory_space<semaphore_mem>>)
      %dma_wait3A_255 = arith.constant 0 : i32
      %dma_wait3A_256 = arith.constant 0 : i32
      %dma_wait3A_257 = tpu.memref_slice %arg3[%add3A, %dma_wait3A_255, %dma_wait3A_256] : memref<32x8x128xi32, #tpu.memory_space<hbm>> -> memref<1x8x128xi32, #tpu.memory_space<hbm>>
      %dma_wait3A_258 = tpu.memref_squeeze %dma_wait3A_257 : memref<1x8x128xi32, #tpu.memory_space<hbm>> -> memref<8x128xi32, #tpu.memory_space<hbm>>
      %dma_wait3A_259 = arith.constant 0 : i32
      %dma_wait3A_260 = arith.constant 0 : i32
      %dma_wait3A_261 = tpu.memref_slice %arg3[%add3A, %dma_wait3A_259, %dma_wait3A_260] : memref<32x8x128xi32, #tpu.memory_space<hbm>> -> memref<1x8x128xi32, #tpu.memory_space<hbm>>
      %dma_wait3A_262 = tpu.memref_squeeze %dma_wait3A_261 : memref<1x8x128xi32, #tpu.memory_space<hbm>> -> memref<8x128xi32, #tpu.memory_space<hbm>>
      tpu.wait_dma2 semaphore(%run_scoped3A_246 : memref<!tpu.dma_semaphore, #tpu.memory_space<semaphore_mem>>) src(%dma_wait3A_262 : memref<8x128xi32, #tpu.memory_space<hbm>>) dst(%arg12 : memref<8x128xi32, #tpu.memory_space<vmem>>)
      tpu.yield
    }) : () -> ()
    %dma_start3A = arith.constant 0 : i32
    %dma_start3A_1 = arith.constant 0 : i32
    %dma_start3A_2 = arith.constant 0 : i32
    %dma_start3A_3 = arith.constant 0 : i32
    %dma_start3A_4 = tpu.memref_slice %arg13[%dma_start3A_1, %dma_start3A_2, %dma_start3A_3] : memref<2x128x128xf32, #tpu.memory_space<vmem>> -> memref<1x128x128xf32, #tpu.memory_space<vmem>>
    %dma_start3A_5 = tpu.memref_squeeze %dma_start3A_4 : memref<1x128x128xf32, #tpu.memory_space<vmem>> -> memref<128x128xf32, #tpu.memory_space<vmem>>
    %dma_start3A_6 = arith.constant 0 : i32
    %dma_start3A_7 = tpu.memref_slice %arg11[%dma_start3A, %dma_start3A_6] : memref<8x128xi32, #tpu.memory_space<vmem>> -> memref<1x128xi32, #tpu.memory_space<vmem>>
    %dma_start3A_8 = tpu.memref_squeeze %dma_start3A_7 : memref<1x128xi32, #tpu.memory_space<vmem>> -> memref<128xi32, #tpu.memory_space<vmem>>
    %dma_start3A_9 = arith.constant 0 : i32
    %dma_start3A_10 = arith.constant 0 : i32
    %dma_start3A_11 = tpu.memref_slice %arg4[%dma_start3A_9, %dma_start3A_10] : memref<1000000x128xf32, #tpu.memory_space<hbm>> -> memref<1000000x128xf32, #tpu.memory_space<hbm>>
    tpu.enqueue_indirect_dma source(%dma_start3A_11 : memref<1000000x128xf32, #tpu.memory_space<hbm>>) target(%dma_start3A_5 : memref<128x128xf32, #tpu.memory_space<vmem>>) offsets(%dma_start3A_8 : memref<128xi32, #tpu.memory_space<vmem>>) semaphore(%arg15 : memref<!tpu.dma_semaphore, #tpu.memory_space<semaphore_mem>>)
    %scan3A = arith.constant 0 : i32
    %scan3A_12 = arith.constant 4 : i32
    %scan3A_13 = arith.addi %scan3A, %scan3A_12 : i32
    %scan3A_14 = arith.constant 1 : i32
    scf.for %scan3A_246 = %scan3A to %scan3A_13 step %scan3A_14  : i32 {
      %mul3A_247 = arith.constant 2 : i32
      %mul3A_248 = arith.muli %mul3A_247, %scan3A_246 : i32
      %add3A_249 = arith.constant 1 : i32
      %add3A_250 = arith.addi %mul3A_248, %add3A_249 : i32
      %dma_start3A_251 = arith.constant 1 : i32
      %dma_start3A_252 = arith.constant 0 : i32
      %dma_start3A_253 = arith.constant 0 : i32
      %dma_start3A_254 = tpu.memref_slice %arg13[%dma_start3A_251, %dma_start3A_252, %dma_start3A_253] : memref<2x128x128xf32, #tpu.memory_space<vmem>> -> memref<1x128x128xf32, #tpu.memory_space<vmem>>
      %dma_start3A_255 = tpu.memref_squeeze %dma_start3A_254 : memref<1x128x128xf32, #tpu.memory_space<vmem>> -> memref<128x128xf32, #tpu.memory_space<vmem>>
      %dma_start3A_256 = arith.constant 0 : i32
      %dma_start3A_257 = tpu.memref_slice %arg11[%add3A_250, %dma_start3A_256] : memref<8x128xi32, #tpu.memory_space<vmem>> -> memref<1x128xi32, #tpu.memory_space<vmem>>
      %dma_start3A_258 = tpu.memref_squeeze %dma_start3A_257 : memref<1x128xi32, #tpu.memory_space<vmem>> -> memref<128xi32, #tpu.memory_space<vmem>>
      %dma_start3A_259 = arith.constant 0 : i32
      %dma_start3A_260 = arith.constant 0 : i32
      %dma_start3A_261 = tpu.memref_slice %arg4[%dma_start3A_259, %dma_start3A_260] : memref<1000000x128xf32, #tpu.memory_space<hbm>> -> memref<1000000x128xf32, #tpu.memory_space<hbm>>
      tpu.enqueue_indirect_dma source(%dma_start3A_261 : memref<1000000x128xf32, #tpu.memory_space<hbm>>) target(%dma_start3A_255 : memref<128x128xf32, #tpu.memory_space<vmem>>) offsets(%dma_start3A_258 : memref<128xi32, #tpu.memory_space<vmem>>) semaphore(%arg16 : memref<!tpu.dma_semaphore, #tpu.memory_space<semaphore_mem>>)
      %dma_wait3A_262 = arith.constant 0 : i32
      %dma_wait3A_263 = arith.constant 0 : i32
      %dma_wait3A_264 = arith.constant 0 : i32
      %dma_wait3A_265 = arith.constant 0 : i32
      %dma_wait3A_266 = tpu.memref_slice %arg13[%dma_wait3A_263, %dma_wait3A_264, %dma_wait3A_265] : memref<2x128x128xf32, #tpu.memory_space<vmem>> -> memref<1x128x128xf32, #tpu.memory_space<vmem>>
      %dma_wait3A_267 = tpu.memref_squeeze %dma_wait3A_266 : memref<1x128x128xf32, #tpu.memory_space<vmem>> -> memref<128x128xf32, #tpu.memory_space<vmem>>
      %dma_wait3A_268 = arith.constant 0 : i32
      %dma_wait3A_269 = tpu.memref_slice %arg11[%dma_wait3A_262, %dma_wait3A_268] : memref<8x128xi32, #tpu.memory_space<vmem>> -> memref<1x128xi32, #tpu.memory_space<vmem>>
      %dma_wait3A_270 = tpu.memref_squeeze %dma_wait3A_269 : memref<1x128xi32, #tpu.memory_space<vmem>> -> memref<128xi32, #tpu.memory_space<vmem>>
      %dma_wait3A_271 = arith.constant 0 : i32
      %dma_wait3A_272 = arith.constant 0 : i32
      %dma_wait3A_273 = tpu.memref_slice %arg4[%dma_wait3A_271, %dma_wait3A_272] : memref<1000000x128xf32, #tpu.memory_space<hbm>> -> memref<1000000x128xf32, #tpu.memory_space<hbm>>
      tpu.wait_indirect_dma semaphore(%arg15 : memref<!tpu.dma_semaphore, #tpu.memory_space<semaphore_mem>>) src(%dma_wait3A_273 : memref<1000000x128xf32, #tpu.memory_space<hbm>>) dst(%dma_wait3A_267 : memref<128x128xf32, #tpu.memory_space<vmem>>)
      %ge3A = arith.constant 4 : i32
      %ge3A_274 = arith.cmpi sge, %mul3A_248, %ge3A : i32
      %convert_element_type3A = arith.extui %ge3A_274 : i1 to i32
      %mul3A_275 = arith.constant 4 : i32
      %mul3A_276 = arith.muli %convert_element_type3A, %mul3A_275 : i32
      %sub3A = arith.subi %mul3A_248, %mul3A_276 : i32
      %mul3A_277 = arith.constant 512 : i32
      %mul3A_278 = arith.muli %add3A, %mul3A_277 : i32
      %mul3A_279 = arith.constant 128 : i32
      %mul3A_280 = arith.muli %sub3A, %mul3A_279 : i32
      %add3A_281 = arith.addi %mul3A_278, %mul3A_280 : i32
      %lt3A = arith.constant 4 : i32
      %lt3A_282 = arith.cmpi slt, %mul3A_248, %lt3A : i32
      %convert_element_type3A_283 = arith.extui %lt3A_282 : i1 to i32
      %cond3A = arith.constant 0 : i32
      %cond3A_284 = arith.cmpi ne, %convert_element_type3A_283, %cond3A : i32
      scf.if %cond3A_284 {
        %run_scoped3A_332 = arith.constant 0 : i32
        "tpu.region"() ({
          %run_scoped3A_333 = tpu.sem_alloc : memref<!tpu.dma_semaphore, #tpu.memory_space<semaphore_mem>>
          %dma_start3A_334 = arith.constant 0 : i32
          %dma_start3A_335 = arith.constant 0 : i32
          %dma_start3A_336 = tpu.memref_slice %arg13[%run_scoped3A_332, %dma_start3A_334, %dma_start3A_335] : memref<2x128x128xf32, #tpu.memory_space<vmem>> -> memref<1x128x128xf32, #tpu.memory_space<vmem>>
          %dma_start3A_337 = tpu.memref_squeeze %dma_start3A_336 : memref<1x128x128xf32, #tpu.memory_space<vmem>> -> memref<128x128xf32, #tpu.memory_space<vmem>>
          %dma_start3A_338 = arith.constant 0 : i32
          %dma_start3A_339 = tpu.memref_slice %arg7[%add3A_281, %dma_start3A_338] : memref<16384x128xf32, #tpu.memory_space<hbm>> -> memref<128x128xf32, #tpu.memory_space<hbm>>
          %dma_start3A_340 = arith.constant 0 : i32
          %dma_start3A_341 = tpu.memref_slice %arg7[%add3A_281, %dma_start3A_340] : memref<16384x128xf32, #tpu.memory_space<hbm>> -> memref<128x128xf32, #tpu.memory_space<hbm>>
          %dma_start3A_342 = arith.constant 0 : i32
          %dma_start3A_343 = arith.constant 0 : i32
          %dma_start3A_344 = tpu.memref_slice %arg13[%run_scoped3A_332, %dma_start3A_342, %dma_start3A_343] : memref<2x128x128xf32, #tpu.memory_space<vmem>> -> memref<1x128x128xf32, #tpu.memory_space<vmem>>
          %dma_start3A_345 = tpu.memref_squeeze %dma_start3A_344 : memref<1x128x128xf32, #tpu.memory_space<vmem>> -> memref<128x128xf32, #tpu.memory_space<vmem>>
          tpu.enqueue_dma source(%dma_start3A_345 : memref<128x128xf32, #tpu.memory_space<vmem>>) target(%dma_start3A_341 : memref<128x128xf32, #tpu.memory_space<hbm>>) target_semaphore(%run_scoped3A_333 : memref<!tpu.dma_semaphore, #tpu.memory_space<semaphore_mem>>)
          %dma_wait3A_346 = arith.constant 0 : i32
          %dma_wait3A_347 = arith.constant 0 : i32
          %dma_wait3A_348 = tpu.memref_slice %arg13[%run_scoped3A_332, %dma_wait3A_346, %dma_wait3A_347] : memref<2x128x128xf32, #tpu.memory_space<vmem>> -> memref<1x128x128xf32, #tpu.memory_space<vmem>>
          %dma_wait3A_349 = tpu.memref_squeeze %dma_wait3A_348 : memref<1x128x128xf32, #tpu.memory_space<vmem>> -> memref<128x128xf32, #tpu.memory_space<vmem>>
          %dma_wait3A_350 = arith.constant 0 : i32
          %dma_wait3A_351 = tpu.memref_slice %arg7[%add3A_281, %dma_wait3A_350] : memref<16384x128xf32, #tpu.memory_space<hbm>> -> memref<128x128xf32, #tpu.memory_space<hbm>>
          %dma_wait3A_352 = arith.constant 0 : i32
          %dma_wait3A_353 = tpu.memref_slice %arg7[%add3A_281, %dma_wait3A_352] : memref<16384x128xf32, #tpu.memory_space<hbm>> -> memref<128x128xf32, #tpu.memory_space<hbm>>
          %dma_wait3A_354 = arith.constant 0 : i32
          %dma_wait3A_355 = arith.constant 0 : i32
          %dma_wait3A_356 = tpu.memref_slice %arg13[%run_scoped3A_332, %dma_wait3A_354, %dma_wait3A_355] : memref<2x128x128xf32, #tpu.memory_space<vmem>> -> memref<1x128x128xf32, #tpu.memory_space<vmem>>
          %dma_wait3A_357 = tpu.memref_squeeze %dma_wait3A_356 : memref<1x128x128xf32, #tpu.memory_space<vmem>> -> memref<128x128xf32, #tpu.memory_space<vmem>>
          tpu.wait_dma2 semaphore(%run_scoped3A_333 : memref<!tpu.dma_semaphore, #tpu.memory_space<semaphore_mem>>) src(%dma_wait3A_357 : memref<128x128xf32, #tpu.memory_space<vmem>>) dst(%dma_wait3A_353 : memref<128x128xf32, #tpu.memory_space<hbm>>)
          tpu.yield
        }) : () -> ()
      } else {
      }
      %ge3A_285 = arith.constant 4 : i32
      %ge3A_286 = arith.cmpi sge, %mul3A_248, %ge3A_285 : i32
      %convert_element_type3A_287 = arith.extui %ge3A_286 : i1 to i32
      %cond3A_288 = arith.constant 0 : i32
      %cond3A_289 = arith.cmpi ne, %convert_element_type3A_287, %cond3A_288 : i32
      scf.if %cond3A_289 {
        %run_scoped3A_332 = arith.constant 0 : i32
        "tpu.region"() ({
          %run_scoped3A_333 = tpu.sem_alloc : memref<!tpu.dma_semaphore, #tpu.memory_space<semaphore_mem>>
          %dma_start3A_334 = arith.constant 0 : i32
          %dma_start3A_335 = arith.constant 0 : i32
          %dma_start3A_336 = tpu.memref_slice %arg13[%run_scoped3A_332, %dma_start3A_334, %dma_start3A_335] : memref<2x128x128xf32, #tpu.memory_space<vmem>> -> memref<1x128x128xf32, #tpu.memory_space<vmem>>
          %dma_start3A_337 = tpu.memref_squeeze %dma_start3A_336 : memref<1x128x128xf32, #tpu.memory_space<vmem>> -> memref<128x128xf32, #tpu.memory_space<vmem>>
          %dma_start3A_338 = arith.constant 0 : i32
          %dma_start3A_339 = tpu.memref_slice %arg8[%add3A_281, %dma_start3A_338] : memref<16384x128xf32, #tpu.memory_space<hbm>> -> memref<128x128xf32, #tpu.memory_space<hbm>>
          %dma_start3A_340 = arith.constant 0 : i32
          %dma_start3A_341 = tpu.memref_slice %arg8[%add3A_281, %dma_start3A_340] : memref<16384x128xf32, #tpu.memory_space<hbm>> -> memref<128x128xf32, #tpu.memory_space<hbm>>
          %dma_start3A_342 = arith.constant 0 : i32
          %dma_start3A_343 = arith.constant 0 : i32
          %dma_start3A_344 = tpu.memref_slice %arg13[%run_scoped3A_332, %dma_start3A_342, %dma_start3A_343] : memref<2x128x128xf32, #tpu.memory_space<vmem>> -> memref<1x128x128xf32, #tpu.memory_space<vmem>>
          %dma_start3A_345 = tpu.memref_squeeze %dma_start3A_344 : memref<1x128x128xf32, #tpu.memory_space<vmem>> -> memref<128x128xf32, #tpu.memory_space<vmem>>
          tpu.enqueue_dma source(%dma_start3A_345 : memref<128x128xf32, #tpu.memory_space<vmem>>) target(%dma_start3A_341 : memref<128x128xf32, #tpu.memory_space<hbm>>) target_semaphore(%run_scoped3A_333 : memref<!tpu.dma_semaphore, #tpu.memory_space<semaphore_mem>>)
          %dma_wait3A_346 = arith.constant 0 : i32
          %dma_wait3A_347 = arith.constant 0 : i32
          %dma_wait3A_348 = tpu.memref_slice %arg13[%run_scoped3A_332, %dma_wait3A_346, %dma_wait3A_347] : memref<2x128x128xf32, #tpu.memory_space<vmem>> -> memref<1x128x128xf32, #tpu.memory_space<vmem>>
          %dma_wait3A_349 = tpu.memref_squeeze %dma_wait3A_348 : memref<1x128x128xf32, #tpu.memory_space<vmem>> -> memref<128x128xf32, #tpu.memory_space<vmem>>
          %dma_wait3A_350 = arith.constant 0 : i32
          %dma_wait3A_351 = tpu.memref_slice %arg8[%add3A_281, %dma_wait3A_350] : memref<16384x128xf32, #tpu.memory_space<hbm>> -> memref<128x128xf32, #tpu.memory_space<hbm>>
          %dma_wait3A_352 = arith.constant 0 : i32
          %dma_wait3A_353 = tpu.memref_slice %arg8[%add3A_281, %dma_wait3A_352] : memref<16384x128xf32, #tpu.memory_space<hbm>> -> memref<128x128xf32, #tpu.memory_space<hbm>>
          %dma_wait3A_354 = arith.constant 0 : i32
          %dma_wait3A_355 = arith.constant 0 : i32
          %dma_wait3A_356 = tpu.memref_slice %arg13[%run_scoped3A_332, %dma_wait3A_354, %dma_wait3A_355] : memref<2x128x128xf32, #tpu.memory_space<vmem>> -> memref<1x128x128xf32, #tpu.memory_space<vmem>>
          %dma_wait3A_357 = tpu.memref_squeeze %dma_wait3A_356 : memref<1x128x128xf32, #tpu.memory_space<vmem>> -> memref<128x128xf32, #tpu.memory_space<vmem>>
          tpu.wait_dma2 semaphore(%run_scoped3A_333 : memref<!tpu.dma_semaphore, #tpu.memory_space<semaphore_mem>>) src(%dma_wait3A_357 : memref<128x128xf32, #tpu.memory_space<vmem>>) dst(%dma_wait3A_353 : memref<128x128xf32, #tpu.memory_space<hbm>>)
          tpu.yield
        }) : () -> ()
      } else {
      }
      %add3A_290 = arith.constant 2 : i32
      %add3A_291 = arith.addi %mul3A_248, %add3A_290 : i32
      %lt3A_292 = arith.constant 8 : i32
      %lt3A_293 = arith.cmpi slt, %add3A_291, %lt3A_292 : i32
      %convert_element_type3A_294 = arith.extui %lt3A_293 : i1 to i32
      %cond3A_295 = arith.constant 0 : i32
      %cond3A_296 = arith.cmpi ne, %convert_element_type3A_294, %cond3A_295 : i32
      scf.if %cond3A_296 {
        %add3A_332 = arith.constant 2 : i32
        %add3A_333 = arith.addi %mul3A_248, %add3A_332 : i32
        %dma_start3A_334 = arith.constant 0 : i32
        %dma_start3A_335 = arith.constant 0 : i32
        %dma_start3A_336 = arith.constant 0 : i32
        %dma_start3A_337 = tpu.memref_slice %arg13[%dma_start3A_334, %dma_start3A_335, %dma_start3A_336] : memref<2x128x128xf32, #tpu.memory_space<vmem>> -> memref<1x128x128xf32, #tpu.memory_space<vmem>>
        %dma_start3A_338 = tpu.memref_squeeze %dma_start3A_337 : memref<1x128x128xf32, #tpu.memory_space<vmem>> -> memref<128x128xf32, #tpu.memory_space<vmem>>
        %dma_start3A_339 = arith.constant 0 : i32
        %dma_start3A_340 = tpu.memref_slice %arg11[%add3A_333, %dma_start3A_339] : memref<8x128xi32, #tpu.memory_space<vmem>> -> memref<1x128xi32, #tpu.memory_space<vmem>>
        %dma_start3A_341 = tpu.memref_squeeze %dma_start3A_340 : memref<1x128xi32, #tpu.memory_space<vmem>> -> memref<128xi32, #tpu.memory_space<vmem>>
        %dma_start3A_342 = arith.constant 0 : i32
        %dma_start3A_343 = arith.constant 0 : i32
        %dma_start3A_344 = tpu.memref_slice %arg4[%dma_start3A_342, %dma_start3A_343] : memref<1000000x128xf32, #tpu.memory_space<hbm>> -> memref<1000000x128xf32, #tpu.memory_space<hbm>>
        tpu.enqueue_indirect_dma source(%dma_start3A_344 : memref<1000000x128xf32, #tpu.memory_space<hbm>>) target(%dma_start3A_338 : memref<128x128xf32, #tpu.memory_space<vmem>>) offsets(%dma_start3A_341 : memref<128xi32, #tpu.memory_space<vmem>>) semaphore(%arg15 : memref<!tpu.dma_semaphore, #tpu.memory_space<semaphore_mem>>)
      } else {
      }
      %dma_wait3A_297 = arith.constant 0 : i32
      %dma_wait3A_298 = arith.constant 1 : i32
      %dma_wait3A_299 = arith.constant 0 : i32
      %dma_wait3A_300 = arith.constant 0 : i32
      %dma_wait3A_301 = tpu.memref_slice %arg13[%dma_wait3A_298, %dma_wait3A_299, %dma_wait3A_300] : memref<2x128x128xf32, #tpu.memory_space<vmem>> -> memref<1x128x128xf32, #tpu.memory_space<vmem>>
      %dma_wait3A_302 = tpu.memref_squeeze %dma_wait3A_301 : memref<1x128x128xf32, #tpu.memory_space<vmem>> -> memref<128x128xf32, #tpu.memory_space<vmem>>
      %dma_wait3A_303 = arith.constant 0 : i32
      %dma_wait3A_304 = tpu.memref_slice %arg11[%dma_wait3A_297, %dma_wait3A_303] : memref<8x128xi32, #tpu.memory_space<vmem>> -> memref<1x128xi32, #tpu.memory_space<vmem>>
      %dma_wait3A_305 = tpu.memref_squeeze %dma_wait3A_304 : memref<1x128xi32, #tpu.memory_space<vmem>> -> memref<128xi32, #tpu.memory_space<vmem>>
      %dma_wait3A_306 = arith.constant 0 : i32
      %dma_wait3A_307 = arith.constant 0 : i32
      %dma_wait3A_308 = tpu.memref_slice %arg4[%dma_wait3A_306, %dma_wait3A_307] : memref<1000000x128xf32, #tpu.memory_space<hbm>> -> memref<1000000x128xf32, #tpu.memory_space<hbm>>
      tpu.wait_indirect_dma semaphore(%arg16 : memref<!tpu.dma_semaphore, #tpu.memory_space<semaphore_mem>>) src(%dma_wait3A_308 : memref<1000000x128xf32, #tpu.memory_space<hbm>>) dst(%dma_wait3A_302 : memref<128x128xf32, #tpu.memory_space<vmem>>)
      %add3A_309 = arith.constant 1 : i32
      %add3A_310 = arith.addi %mul3A_248, %add3A_309 : i32
      %ge3A_311 = arith.constant 4 : i32
      %ge3A_312 = arith.cmpi sge, %add3A_310, %ge3A_311 : i32
      %convert_element_type3A_313 = arith.extui %ge3A_312 : i1 to i32
      %mul3A_314 = arith.constant 4 : i32
      %mul3A_315 = arith.muli %convert_element_type3A_313, %mul3A_314 : i32
      %sub3A_316 = arith.subi %add3A_310, %mul3A_315 : i32
      %mul3A_317 = arith.constant 512 : i32
      %mul3A_318 = arith.muli %add3A, %mul3A_317 : i32
      %mul3A_319 = arith.constant 128 : i32
      %mul3A_320 = arith.muli %sub3A_316, %mul3A_319 : i32
      %add3A_321 = arith.addi %mul3A_318, %mul3A_320 : i32
      %lt3A_322 = arith.constant 4 : i32
      %lt3A_323 = arith.cmpi slt, %add3A_310, %lt3A_322 : i32
      %convert_element_type3A_324 = arith.extui %lt3A_323 : i1 to i32
      %cond3A_325 = arith.constant 0 : i32
      %cond3A_326 = arith.cmpi ne, %convert_element_type3A_324, %cond3A_325 : i32
      scf.if %cond3A_326 {
        %run_scoped3A_332 = arith.constant 1 : i32
        "tpu.region"() ({
          %run_scoped3A_333 = tpu.sem_alloc : memref<!tpu.dma_semaphore, #tpu.memory_space<semaphore_mem>>
          %dma_start3A_334 = arith.constant 0 : i32
          %dma_start3A_335 = arith.constant 0 : i32
          %dma_start3A_336 = tpu.memref_slice %arg13[%run_scoped3A_332, %dma_start3A_334, %dma_start3A_335] : memref<2x128x128xf32, #tpu.memory_space<vmem>> -> memref<1x128x128xf32, #tpu.memory_space<vmem>>
          %dma_start3A_337 = tpu.memref_squeeze %dma_start3A_336 : memref<1x128x128xf32, #tpu.memory_space<vmem>> -> memref<128x128xf32, #tpu.memory_space<vmem>>
          %dma_start3A_338 = arith.constant 0 : i32
          %dma_start3A_339 = tpu.memref_slice %arg7[%add3A_321, %dma_start3A_338] : memref<16384x128xf32, #tpu.memory_space<hbm>> -> memref<128x128xf32, #tpu.memory_space<hbm>>
          %dma_start3A_340 = arith.constant 0 : i32
          %dma_start3A_341 = tpu.memref_slice %arg7[%add3A_321, %dma_start3A_340] : memref<16384x128xf32, #tpu.memory_space<hbm>> -> memref<128x128xf32, #tpu.memory_space<hbm>>
          %dma_start3A_342 = arith.constant 0 : i32
          %dma_start3A_343 = arith.constant 0 : i32
          %dma_start3A_344 = tpu.memref_slice %arg13[%run_scoped3A_332, %dma_start3A_342, %dma_start3A_343] : memref<2x128x128xf32, #tpu.memory_space<vmem>> -> memref<1x128x128xf32, #tpu.memory_space<vmem>>
          %dma_start3A_345 = tpu.memref_squeeze %dma_start3A_344 : memref<1x128x128xf32, #tpu.memory_space<vmem>> -> memref<128x128xf32, #tpu.memory_space<vmem>>
          tpu.enqueue_dma source(%dma_start3A_345 : memref<128x128xf32, #tpu.memory_space<vmem>>) target(%dma_start3A_341 : memref<128x128xf32, #tpu.memory_space<hbm>>) target_semaphore(%run_scoped3A_333 : memref<!tpu.dma_semaphore, #tpu.memory_space<semaphore_mem>>)
          %dma_wait3A_346 = arith.constant 0 : i32
          %dma_wait3A_347 = arith.constant 0 : i32
          %dma_wait3A_348 = tpu.memref_slice %arg13[%run_scoped3A_332, %dma_wait3A_346, %dma_wait3A_347] : memref<2x128x128xf32, #tpu.memory_space<vmem>> -> memref<1x128x128xf32, #tpu.memory_space<vmem>>
          %dma_wait3A_349 = tpu.memref_squeeze %dma_wait3A_348 : memref<1x128x128xf32, #tpu.memory_space<vmem>> -> memref<128x128xf32, #tpu.memory_space<vmem>>
          %dma_wait3A_350 = arith.constant 0 : i32
          %dma_wait3A_351 = tpu.memref_slice %arg7[%add3A_321, %dma_wait3A_350] : memref<16384x128xf32, #tpu.memory_space<hbm>> -> memref<128x128xf32, #tpu.memory_space<hbm>>
          %dma_wait3A_352 = arith.constant 0 : i32
          %dma_wait3A_353 = tpu.memref_slice %arg7[%add3A_321, %dma_wait3A_352] : memref<16384x128xf32, #tpu.memory_space<hbm>> -> memref<128x128xf32, #tpu.memory_space<hbm>>
          %dma_wait3A_354 = arith.constant 0 : i32
          %dma_wait3A_355 = arith.constant 0 : i32
          %dma_wait3A_356 = tpu.memref_slice %arg13[%run_scoped3A_332, %dma_wait3A_354, %dma_wait3A_355] : memref<2x128x128xf32, #tpu.memory_space<vmem>> -> memref<1x128x128xf32, #tpu.memory_space<vmem>>
          %dma_wait3A_357 = tpu.memref_squeeze %dma_wait3A_356 : memref<1x128x128xf32, #tpu.memory_space<vmem>> -> memref<128x128xf32, #tpu.memory_space<vmem>>
          tpu.wait_dma2 semaphore(%run_scoped3A_333 : memref<!tpu.dma_semaphore, #tpu.memory_space<semaphore_mem>>) src(%dma_wait3A_357 : memref<128x128xf32, #tpu.memory_space<vmem>>) dst(%dma_wait3A_353 : memref<128x128xf32, #tpu.memory_space<hbm>>)
          tpu.yield
        }) : () -> ()
      } else {
      }
      %ge3A_327 = arith.constant 4 : i32
      %ge3A_328 = arith.cmpi sge, %add3A_310, %ge3A_327 : i32
      %convert_element_type3A_329 = arith.extui %ge3A_328 : i1 to i32
      %cond3A_330 = arith.constant 0 : i32
      %cond3A_331 = arith.cmpi ne, %convert_element_type3A_329, %cond3A_330 : i32
      scf.if %cond3A_331 {
        %run_scoped3A_332 = arith.constant 1 : i32
        "tpu.region"() ({
          %run_scoped3A_333 = tpu.sem_alloc : memref<!tpu.dma_semaphore, #tpu.memory_space<semaphore_mem>>
          %dma_start3A_334 = arith.constant 0 : i32
          %dma_start3A_335 = arith.constant 0 : i32
          %dma_start3A_336 = tpu.memref_slice %arg13[%run_scoped3A_332, %dma_start3A_334, %dma_start3A_335] : memref<2x128x128xf32, #tpu.memory_space<vmem>> -> memref<1x128x128xf32, #tpu.memory_space<vmem>>
          %dma_start3A_337 = tpu.memref_squeeze %dma_start3A_336 : memref<1x128x128xf32, #tpu.memory_space<vmem>> -> memref<128x128xf32, #tpu.memory_space<vmem>>
          %dma_start3A_338 = arith.constant 0 : i32
          %dma_start3A_339 = tpu.memref_slice %arg8[%add3A_321, %dma_start3A_338] : memref<16384x128xf32, #tpu.memory_space<hbm>> -> memref<128x128xf32, #tpu.memory_space<hbm>>
          %dma_start3A_340 = arith.constant 0 : i32
          %dma_start3A_341 = tpu.memref_slice %arg8[%add3A_321, %dma_start3A_340] : memref<16384x128xf32, #tpu.memory_space<hbm>> -> memref<128x128xf32, #tpu.memory_space<hbm>>
          %dma_start3A_342 = arith.constant 0 : i32
          %dma_start3A_343 = arith.constant 0 : i32
          %dma_start3A_344 = tpu.memref_slice %arg13[%run_scoped3A_332, %dma_start3A_342, %dma_start3A_343] : memref<2x128x128xf32, #tpu.memory_space<vmem>> -> memref<1x128x128xf32, #tpu.memory_space<vmem>>
          %dma_start3A_345 = tpu.memref_squeeze %dma_start3A_344 : memref<1x128x128xf32, #tpu.memory_space<vmem>> -> memref<128x128xf32, #tpu.memory_space<vmem>>
          tpu.enqueue_dma source(%dma_start3A_345 : memref<128x128xf32, #tpu.memory_space<vmem>>) target(%dma_start3A_341 : memref<128x128xf32, #tpu.memory_space<hbm>>) target_semaphore(%run_scoped3A_333 : memref<!tpu.dma_semaphore, #tpu.memory_space<semaphore_mem>>)
          %dma_wait3A_346 = arith.constant 0 : i32
          %dma_wait3A_347 = arith.constant 0 : i32
          %dma_wait3A_348 = tpu.memref_slice %arg13[%run_scoped3A_332, %dma_wait3A_346, %dma_wait3A_347] : memref<2x128x128xf32, #tpu.memory_space<vmem>> -> memref<1x128x128xf32, #tpu.memory_space<vmem>>
          %dma_wait3A_349 = tpu.memref_squeeze %dma_wait3A_348 : memref<1x128x128xf32, #tpu.memory_space<vmem>> -> memref<128x128xf32, #tpu.memory_space<vmem>>
          %dma_wait3A_350 = arith.constant 0 : i32
          %dma_wait3A_351 = tpu.memref_slice %arg8[%add3A_321, %dma_wait3A_350] : memref<16384x128xf32, #tpu.memory_space<hbm>> -> memref<128x128xf32, #tpu.memory_space<hbm>>
          %dma_wait3A_352 = arith.constant 0 : i32
          %dma_wait3A_353 = tpu.memref_slice %arg8[%add3A_321, %dma_wait3A_352] : memref<16384x128xf32, #tpu.memory_space<hbm>> -> memref<128x128xf32, #tpu.memory_space<hbm>>
          %dma_wait3A_354 = arith.constant 0 : i32
          %dma_wait3A_355 = arith.constant 0 : i32
          %dma_wait3A_356 = tpu.memref_slice %arg13[%run_scoped3A_332, %dma_wait3A_354, %dma_wait3A_355] : memref<2x128x128xf32, #tpu.memory_space<vmem>> -> memref<1x128x128xf32, #tpu.memory_space<vmem>>
          %dma_wait3A_357 = tpu.memref_squeeze %dma_wait3A_356 : memref<1x128x128xf32, #tpu.memory_space<vmem>> -> memref<128x128xf32, #tpu.memory_space<vmem>>
          tpu.wait_dma2 semaphore(%run_scoped3A_333 : memref<!tpu.dma_semaphore, #tpu.memory_space<semaphore_mem>>) src(%dma_wait3A_357 : memref<128x128xf32, #tpu.memory_space<vmem>>) dst(%dma_wait3A_353 : memref<128x128xf32, #tpu.memory_space<hbm>>)
          tpu.yield
        }) : () -> ()
      } else {
      }
    }
    %scan3A_15 = arith.constant 4 : i32
    %dma_start3A_16 = arith.constant 0 : i32
    %dma_start3A_17 = arith.constant 0 : i32
    %dma_start3A_18 = arith.constant 0 : i32
    %dma_start3A_19 = arith.constant 0 : i32
    %dma_start3A_20 = tpu.memref_slice %arg14[%dma_start3A_17, %dma_start3A_18, %dma_start3A_19] : memref<2x128x128xf32, #tpu.memory_space<vmem>> -> memref<1x128x128xf32, #tpu.memory_space<vmem>>
    %dma_start3A_21 = tpu.memref_squeeze %dma_start3A_20 : memref<1x128x128xf32, #tpu.memory_space<vmem>> -> memref<128x128xf32, #tpu.memory_space<vmem>>
    %dma_start3A_22 = arith.constant 0 : i32
    %dma_start3A_23 = tpu.memref_slice %arg12[%dma_start3A_16, %dma_start3A_22] : memref<8x128xi32, #tpu.memory_space<vmem>> -> memref<1x128xi32, #tpu.memory_space<vmem>>
    %dma_start3A_24 = tpu.memref_squeeze %dma_start3A_23 : memref<1x128xi32, #tpu.memory_space<vmem>> -> memref<128xi32, #tpu.memory_space<vmem>>
    %dma_start3A_25 = arith.constant 0 : i32
    %dma_start3A_26 = arith.constant 0 : i32
    %dma_start3A_27 = tpu.memref_slice %arg5[%dma_start3A_25, %dma_start3A_26] : memref<1000x128xf32, #tpu.memory_space<hbm>> -> memref<1000x128xf32, #tpu.memory_space<hbm>>
    tpu.enqueue_indirect_dma source(%dma_start3A_27 : memref<1000x128xf32, #tpu.memory_space<hbm>>) target(%dma_start3A_21 : memref<128x128xf32, #tpu.memory_space<vmem>>) offsets(%dma_start3A_24 : memref<128xi32, #tpu.memory_space<vmem>>) semaphore(%arg17 : memref<!tpu.dma_semaphore, #tpu.memory_space<semaphore_mem>>)
    %dma_start3A_28 = arith.constant 1 : i32
    %dma_start3A_29 = arith.constant 1 : i32
    %dma_start3A_30 = arith.constant 0 : i32
    %dma_start3A_31 = arith.constant 0 : i32
    %dma_start3A_32 = tpu.memref_slice %arg14[%dma_start3A_29, %dma_start3A_30, %dma_start3A_31] : memref<2x128x128xf32, #tpu.memory_space<vmem>> -> memref<1x128x128xf32, #tpu.memory_space<vmem>>
    %dma_start3A_33 = tpu.memref_squeeze %dma_start3A_32 : memref<1x128x128xf32, #tpu.memory_space<vmem>> -> memref<128x128xf32, #tpu.memory_space<vmem>>
    %dma_start3A_34 = arith.constant 0 : i32
    %dma_start3A_35 = tpu.memref_slice %arg12[%dma_start3A_28, %dma_start3A_34] : memref<8x128xi32, #tpu.memory_space<vmem>> -> memref<1x128xi32, #tpu.memory_space<vmem>>
    %dma_start3A_36 = tpu.memref_squeeze %dma_start3A_35 : memref<1x128xi32, #tpu.memory_space<vmem>> -> memref<128xi32, #tpu.memory_space<vmem>>
    %dma_start3A_37 = arith.constant 0 : i32
    %dma_start3A_38 = arith.constant 0 : i32
    %dma_start3A_39 = tpu.memref_slice %arg5[%dma_start3A_37, %dma_start3A_38] : memref<1000x128xf32, #tpu.memory_space<hbm>> -> memref<1000x128xf32, #tpu.memory_space<hbm>>
    tpu.enqueue_indirect_dma source(%dma_start3A_39 : memref<1000x128xf32, #tpu.memory_space<hbm>>) target(%dma_start3A_33 : memref<128x128xf32, #tpu.memory_space<vmem>>) offsets(%dma_start3A_36 : memref<128xi32, #tpu.memory_space<vmem>>) semaphore(%arg18 : memref<!tpu.dma_semaphore, #tpu.memory_space<semaphore_mem>>)
    %dma_wait3A = arith.constant 0 : i32
    %dma_wait3A_40 = arith.constant 0 : i32
    %dma_wait3A_41 = arith.constant 0 : i32
    %dma_wait3A_42 = arith.constant 0 : i32
    %dma_wait3A_43 = tpu.memref_slice %arg14[%dma_wait3A_40, %dma_wait3A_41, %dma_wait3A_42] : memref<2x128x128xf32, #tpu.memory_space<vmem>> -> memref<1x128x128xf32, #tpu.memory_space<vmem>>
    %dma_wait3A_44 = tpu.memref_squeeze %dma_wait3A_43 : memref<1x128x128xf32, #tpu.memory_space<vmem>> -> memref<128x128xf32, #tpu.memory_space<vmem>>
    %dma_wait3A_45 = arith.constant 0 : i32
    %dma_wait3A_46 = tpu.memref_slice %arg12[%dma_wait3A, %dma_wait3A_45] : memref<8x128xi32, #tpu.memory_space<vmem>> -> memref<1x128xi32, #tpu.memory_space<vmem>>
    %dma_wait3A_47 = tpu.memref_squeeze %dma_wait3A_46 : memref<1x128xi32, #tpu.memory_space<vmem>> -> memref<128xi32, #tpu.memory_space<vmem>>
    %dma_wait3A_48 = arith.constant 0 : i32
    %dma_wait3A_49 = arith.constant 0 : i32
    %dma_wait3A_50 = tpu.memref_slice %arg5[%dma_wait3A_48, %dma_wait3A_49] : memref<1000x128xf32, #tpu.memory_space<hbm>> -> memref<1000x128xf32, #tpu.memory_space<hbm>>
    tpu.wait_indirect_dma semaphore(%arg17 : memref<!tpu.dma_semaphore, #tpu.memory_space<semaphore_mem>>) src(%dma_wait3A_50 : memref<1000x128xf32, #tpu.memory_space<hbm>>) dst(%dma_wait3A_44 : memref<128x128xf32, #tpu.memory_space<vmem>>)
    %mul3A_51 = arith.constant 512 : i32
    %mul3A_52 = arith.muli %add3A, %mul3A_51 : i32
    %add3A_53 = arith.constant 0 : i32
    %add3A_54 = arith.addi %mul3A_52, %add3A_53 : i32
    %run_scoped3A = arith.constant 0 : i32
    "tpu.region"() ({
      %run_scoped3A_246 = tpu.sem_alloc : memref<!tpu.dma_semaphore, #tpu.memory_space<semaphore_mem>>
      %dma_start3A_247 = arith.constant 0 : i32
      %dma_start3A_248 = arith.constant 0 : i32
      %dma_start3A_249 = tpu.memref_slice %arg14[%run_scoped3A, %dma_start3A_247, %dma_start3A_248] : memref<2x128x128xf32, #tpu.memory_space<vmem>> -> memref<1x128x128xf32, #tpu.memory_space<vmem>>
      %dma_start3A_250 = tpu.memref_squeeze %dma_start3A_249 : memref<1x128x128xf32, #tpu.memory_space<vmem>> -> memref<128x128xf32, #tpu.memory_space<vmem>>
      %dma_start3A_251 = arith.constant 0 : i32
      %dma_start3A_252 = tpu.memref_slice %arg9[%add3A_54, %dma_start3A_251] : memref<16384x128xf32, #tpu.memory_space<hbm>> -> memref<128x128xf32, #tpu.memory_space<hbm>>
      %dma_start3A_253 = arith.constant 0 : i32
      %dma_start3A_254 = tpu.memref_slice %arg9[%add3A_54, %dma_start3A_253] : memref<16384x128xf32, #tpu.memory_space<hbm>> -> memref<128x128xf32, #tpu.memory_space<hbm>>
      %dma_start3A_255 = arith.constant 0 : i32
      %dma_start3A_256 = arith.constant 0 : i32
      %dma_start3A_257 = tpu.memref_slice %arg14[%run_scoped3A, %dma_start3A_255, %dma_start3A_256] : memref<2x128x128xf32, #tpu.memory_space<vmem>> -> memref<1x128x128xf32, #tpu.memory_space<vmem>>
      %dma_start3A_258 = tpu.memref_squeeze %dma_start3A_257 : memref<1x128x128xf32, #tpu.memory_space<vmem>> -> memref<128x128xf32, #tpu.memory_space<vmem>>
      tpu.enqueue_dma source(%dma_start3A_258 : memref<128x128xf32, #tpu.memory_space<vmem>>) target(%dma_start3A_254 : memref<128x128xf32, #tpu.memory_space<hbm>>) target_semaphore(%run_scoped3A_246 : memref<!tpu.dma_semaphore, #tpu.memory_space<semaphore_mem>>)
      %dma_wait3A_259 = arith.constant 0 : i32
      %dma_wait3A_260 = arith.constant 0 : i32
      %dma_wait3A_261 = tpu.memref_slice %arg14[%run_scoped3A, %dma_wait3A_259, %dma_wait3A_260] : memref<2x128x128xf32, #tpu.memory_space<vmem>> -> memref<1x128x128xf32, #tpu.memory_space<vmem>>
      %dma_wait3A_262 = tpu.memref_squeeze %dma_wait3A_261 : memref<1x128x128xf32, #tpu.memory_space<vmem>> -> memref<128x128xf32, #tpu.memory_space<vmem>>
      %dma_wait3A_263 = arith.constant 0 : i32
      %dma_wait3A_264 = tpu.memref_slice %arg9[%add3A_54, %dma_wait3A_263] : memref<16384x128xf32, #tpu.memory_space<hbm>> -> memref<128x128xf32, #tpu.memory_space<hbm>>
      %dma_wait3A_265 = arith.constant 0 : i32
      %dma_wait3A_266 = tpu.memref_slice %arg9[%add3A_54, %dma_wait3A_265] : memref<16384x128xf32, #tpu.memory_space<hbm>> -> memref<128x128xf32, #tpu.memory_space<hbm>>
      %dma_wait3A_267 = arith.constant 0 : i32
      %dma_wait3A_268 = arith.constant 0 : i32
      %dma_wait3A_269 = tpu.memref_slice %arg14[%run_scoped3A, %dma_wait3A_267, %dma_wait3A_268] : memref<2x128x128xf32, #tpu.memory_space<vmem>> -> memref<1x128x128xf32, #tpu.memory_space<vmem>>
      %dma_wait3A_270 = tpu.memref_squeeze %dma_wait3A_269 : memref<1x128x128xf32, #tpu.memory_space<vmem>> -> memref<128x128xf32, #tpu.memory_space<vmem>>
      tpu.wait_dma2 semaphore(%run_scoped3A_246 : memref<!tpu.dma_semaphore, #tpu.memory_space<semaphore_mem>>) src(%dma_wait3A_270 : memref<128x128xf32, #tpu.memory_space<vmem>>) dst(%dma_wait3A_266 : memref<128x128xf32, #tpu.memory_space<hbm>>)
      tpu.yield
    }) : () -> ()
    %dma_start3A_55 = arith.constant 2 : i32
    %dma_start3A_56 = arith.constant 0 : i32
    %dma_start3A_57 = arith.constant 0 : i32
    %dma_start3A_58 = arith.constant 0 : i32
    %dma_start3A_59 = tpu.memref_slice %arg14[%dma_start3A_56, %dma_start3A_57, %dma_start3A_58] : memref<2x128x128xf32, #tpu.memory_space<vmem>> -> memref<1x128x128xf32, #tpu.memory_space<vmem>>
    %dma_start3A_60 = tpu.memref_squeeze %dma_start3A_59 : memref<1x128x128xf32, #tpu.memory_space<vmem>> -> memref<128x128xf32, #tpu.memory_space<vmem>>
    %dma_start3A_61 = arith.constant 0 : i32
    %dma_start3A_62 = tpu.memref_slice %arg12[%dma_start3A_55, %dma_start3A_61] : memref<8x128xi32, #tpu.memory_space<vmem>> -> memref<1x128xi32, #tpu.memory_space<vmem>>
    %dma_start3A_63 = tpu.memref_squeeze %dma_start3A_62 : memref<1x128xi32, #tpu.memory_space<vmem>> -> memref<128xi32, #tpu.memory_space<vmem>>
    %dma_start3A_64 = arith.constant 0 : i32
    %dma_start3A_65 = arith.constant 0 : i32
    %dma_start3A_66 = tpu.memref_slice %arg5[%dma_start3A_64, %dma_start3A_65] : memref<1000x128xf32, #tpu.memory_space<hbm>> -> memref<1000x128xf32, #tpu.memory_space<hbm>>
    tpu.enqueue_indirect_dma source(%dma_start3A_66 : memref<1000x128xf32, #tpu.memory_space<hbm>>) target(%dma_start3A_60 : memref<128x128xf32, #tpu.memory_space<vmem>>) offsets(%dma_start3A_63 : memref<128xi32, #tpu.memory_space<vmem>>) semaphore(%arg17 : memref<!tpu.dma_semaphore, #tpu.memory_space<semaphore_mem>>)
    %dma_wait3A_67 = arith.constant 0 : i32
    %dma_wait3A_68 = arith.constant 1 : i32
    %dma_wait3A_69 = arith.constant 0 : i32
    %dma_wait3A_70 = arith.constant 0 : i32
    %dma_wait3A_71 = tpu.memref_slice %arg14[%dma_wait3A_68, %dma_wait3A_69, %dma_wait3A_70] : memref<2x128x128xf32, #tpu.memory_space<vmem>> -> memref<1x128x128xf32, #tpu.memory_space<vmem>>
    %dma_wait3A_72 = tpu.memref_squeeze %dma_wait3A_71 : memref<1x128x128xf32, #tpu.memory_space<vmem>> -> memref<128x128xf32, #tpu.memory_space<vmem>>
    %dma_wait3A_73 = arith.constant 0 : i32
    %dma_wait3A_74 = tpu.memref_slice %arg12[%dma_wait3A_67, %dma_wait3A_73] : memref<8x128xi32, #tpu.memory_space<vmem>> -> memref<1x128xi32, #tpu.memory_space<vmem>>
    %dma_wait3A_75 = tpu.memref_squeeze %dma_wait3A_74 : memref<1x128xi32, #tpu.memory_space<vmem>> -> memref<128xi32, #tpu.memory_space<vmem>>
    %dma_wait3A_76 = arith.constant 0 : i32
    %dma_wait3A_77 = arith.constant 0 : i32
    %dma_wait3A_78 = tpu.memref_slice %arg5[%dma_wait3A_76, %dma_wait3A_77] : memref<1000x128xf32, #tpu.memory_space<hbm>> -> memref<1000x128xf32, #tpu.memory_space<hbm>>
    tpu.wait_indirect_dma semaphore(%arg18 : memref<!tpu.dma_semaphore, #tpu.memory_space<semaphore_mem>>) src(%dma_wait3A_78 : memref<1000x128xf32, #tpu.memory_space<hbm>>) dst(%dma_wait3A_72 : memref<128x128xf32, #tpu.memory_space<vmem>>)
    %mul3A_79 = arith.constant 512 : i32
    %mul3A_80 = arith.muli %add3A, %mul3A_79 : i32
    %add3A_81 = arith.constant 128 : i32
    %add3A_82 = arith.addi %mul3A_80, %add3A_81 : i32
    %run_scoped3A_83 = arith.constant 1 : i32
    "tpu.region"() ({
      %run_scoped3A_246 = tpu.sem_alloc : memref<!tpu.dma_semaphore, #tpu.memory_space<semaphore_mem>>
      %dma_start3A_247 = arith.constant 0 : i32
      %dma_start3A_248 = arith.constant 0 : i32
      %dma_start3A_249 = tpu.memref_slice %arg14[%run_scoped3A_83, %dma_start3A_247, %dma_start3A_248] : memref<2x128x128xf32, #tpu.memory_space<vmem>> -> memref<1x128x128xf32, #tpu.memory_space<vmem>>
      %dma_start3A_250 = tpu.memref_squeeze %dma_start3A_249 : memref<1x128x128xf32, #tpu.memory_space<vmem>> -> memref<128x128xf32, #tpu.memory_space<vmem>>
      %dma_start3A_251 = arith.constant 0 : i32
      %dma_start3A_252 = tpu.memref_slice %arg9[%add3A_82, %dma_start3A_251] : memref<16384x128xf32, #tpu.memory_space<hbm>> -> memref<128x128xf32, #tpu.memory_space<hbm>>
      %dma_start3A_253 = arith.constant 0 : i32
      %dma_start3A_254 = tpu.memref_slice %arg9[%add3A_82, %dma_start3A_253] : memref<16384x128xf32, #tpu.memory_space<hbm>> -> memref<128x128xf32, #tpu.memory_space<hbm>>
      %dma_start3A_255 = arith.constant 0 : i32
      %dma_start3A_256 = arith.constant 0 : i32
      %dma_start3A_257 = tpu.memref_slice %arg14[%run_scoped3A_83, %dma_start3A_255, %dma_start3A_256] : memref<2x128x128xf32, #tpu.memory_space<vmem>> -> memref<1x128x128xf32, #tpu.memory_space<vmem>>
      %dma_start3A_258 = tpu.memref_squeeze %dma_start3A_257 : memref<1x128x128xf32, #tpu.memory_space<vmem>> -> memref<128x128xf32, #tpu.memory_space<vmem>>
      tpu.enqueue_dma source(%dma_start3A_258 : memref<128x128xf32, #tpu.memory_space<vmem>>) target(%dma_start3A_254 : memref<128x128xf32, #tpu.memory_space<hbm>>) target_semaphore(%run_scoped3A_246 : memref<!tpu.dma_semaphore, #tpu.memory_space<semaphore_mem>>)
      %dma_wait3A_259 = arith.constant 0 : i32
      %dma_wait3A_260 = arith.constant 0 : i32
      %dma_wait3A_261 = tpu.memref_slice %arg14[%run_scoped3A_83, %dma_wait3A_259, %dma_wait3A_260] : memref<2x128x128xf32, #tpu.memory_space<vmem>> -> memref<1x128x128xf32, #tpu.memory_space<vmem>>
      %dma_wait3A_262 = tpu.memref_squeeze %dma_wait3A_261 : memref<1x128x128xf32, #tpu.memory_space<vmem>> -> memref<128x128xf32, #tpu.memory_space<vmem>>
      %dma_wait3A_263 = arith.constant 0 : i32
      %dma_wait3A_264 = tpu.memref_slice %arg9[%add3A_82, %dma_wait3A_263] : memref<16384x128xf32, #tpu.memory_space<hbm>> -> memref<128x128xf32, #tpu.memory_space<hbm>>
      %dma_wait3A_265 = arith.constant 0 : i32
      %dma_wait3A_266 = tpu.memref_slice %arg9[%add3A_82, %dma_wait3A_265] : memref<16384x128xf32, #tpu.memory_space<hbm>> -> memref<128x128xf32, #tpu.memory_space<hbm>>
      %dma_wait3A_267 = arith.constant 0 : i32
      %dma_wait3A_268 = arith.constant 0 : i32
      %dma_wait3A_269 = tpu.memref_slice %arg14[%run_scoped3A_83, %dma_wait3A_267, %dma_wait3A_268] : memref<2x128x128xf32, #tpu.memory_space<vmem>> -> memref<1x128x128xf32, #tpu.memory_space<vmem>>
      %dma_wait3A_270 = tpu.memref_squeeze %dma_wait3A_269 : memref<1x128x128xf32, #tpu.memory_space<vmem>> -> memref<128x128xf32, #tpu.memory_space<vmem>>
      tpu.wait_dma2 semaphore(%run_scoped3A_246 : memref<!tpu.dma_semaphore, #tpu.memory_space<semaphore_mem>>) src(%dma_wait3A_270 : memref<128x128xf32, #tpu.memory_space<vmem>>) dst(%dma_wait3A_266 : memref<128x128xf32, #tpu.memory_space<hbm>>)
      tpu.yield
    }) : () -> ()
    %dma_start3A_84 = arith.constant 3 : i32
    %dma_start3A_85 = arith.constant 1 : i32
    %dma_start3A_86 = arith.constant 0 : i32
    %dma_start3A_87 = arith.constant 0 : i32
    %dma_start3A_88 = tpu.memref_slice %arg14[%dma_start3A_85, %dma_start3A_86, %dma_start3A_87] : memref<2x128x128xf32, #tpu.memory_space<vmem>> -> memref<1x128x128xf32, #tpu.memory_space<vmem>>
    %dma_start3A_89 = tpu.memref_squeeze %dma_start3A_88 : memref<1x128x128xf32, #tpu.memory_space<vmem>> -> memref<128x128xf32, #tpu.memory_space<vmem>>
    %dma_start3A_90 = arith.constant 0 : i32
    %dma_start3A_91 = tpu.memref_slice %arg12[%dma_start3A_84, %dma_start3A_90] : memref<8x128xi32, #tpu.memory_space<vmem>> -> memref<1x128xi32, #tpu.memory_space<vmem>>
    %dma_start3A_92 = tpu.memref_squeeze %dma_start3A_91 : memref<1x128xi32, #tpu.memory_space<vmem>> -> memref<128xi32, #tpu.memory_space<vmem>>
    %dma_start3A_93 = arith.constant 0 : i32
    %dma_start3A_94 = arith.constant 0 : i32
    %dma_start3A_95 = tpu.memref_slice %arg5[%dma_start3A_93, %dma_start3A_94] : memref<1000x128xf32, #tpu.memory_space<hbm>> -> memref<1000x128xf32, #tpu.memory_space<hbm>>
    tpu.enqueue_indirect_dma source(%dma_start3A_95 : memref<1000x128xf32, #tpu.memory_space<hbm>>) target(%dma_start3A_89 : memref<128x128xf32, #tpu.memory_space<vmem>>) offsets(%dma_start3A_92 : memref<128xi32, #tpu.memory_space<vmem>>) semaphore(%arg18 : memref<!tpu.dma_semaphore, #tpu.memory_space<semaphore_mem>>)
    %dma_wait3A_96 = arith.constant 0 : i32
    %dma_wait3A_97 = arith.constant 0 : i32
    %dma_wait3A_98 = arith.constant 0 : i32
    %dma_wait3A_99 = arith.constant 0 : i32
    %dma_wait3A_100 = tpu.memref_slice %arg14[%dma_wait3A_97, %dma_wait3A_98, %dma_wait3A_99] : memref<2x128x128xf32, #tpu.memory_space<vmem>> -> memref<1x128x128xf32, #tpu.memory_space<vmem>>
    %dma_wait3A_101 = tpu.memref_squeeze %dma_wait3A_100 : memref<1x128x128xf32, #tpu.memory_space<vmem>> -> memref<128x128xf32, #tpu.memory_space<vmem>>
    %dma_wait3A_102 = arith.constant 0 : i32
    %dma_wait3A_103 = tpu.memref_slice %arg12[%dma_wait3A_96, %dma_wait3A_102] : memref<8x128xi32, #tpu.memory_space<vmem>> -> memref<1x128xi32, #tpu.memory_space<vmem>>
    %dma_wait3A_104 = tpu.memref_squeeze %dma_wait3A_103 : memref<1x128xi32, #tpu.memory_space<vmem>> -> memref<128xi32, #tpu.memory_space<vmem>>
    %dma_wait3A_105 = arith.constant 0 : i32
    %dma_wait3A_106 = arith.constant 0 : i32
    %dma_wait3A_107 = tpu.memref_slice %arg5[%dma_wait3A_105, %dma_wait3A_106] : memref<1000x128xf32, #tpu.memory_space<hbm>> -> memref<1000x128xf32, #tpu.memory_space<hbm>>
    tpu.wait_indirect_dma semaphore(%arg17 : memref<!tpu.dma_semaphore, #tpu.memory_space<semaphore_mem>>) src(%dma_wait3A_107 : memref<1000x128xf32, #tpu.memory_space<hbm>>) dst(%dma_wait3A_101 : memref<128x128xf32, #tpu.memory_space<vmem>>)
    %mul3A_108 = arith.constant 512 : i32
    %mul3A_109 = arith.muli %add3A, %mul3A_108 : i32
    %add3A_110 = arith.constant 256 : i32
    %add3A_111 = arith.addi %mul3A_109, %add3A_110 : i32
    %run_scoped3A_112 = arith.constant 0 : i32
    "tpu.region"() ({
      %run_scoped3A_246 = tpu.sem_alloc : memref<!tpu.dma_semaphore, #tpu.memory_space<semaphore_mem>>
      %dma_start3A_247 = arith.constant 0 : i32
      %dma_start3A_248 = arith.constant 0 : i32
      %dma_start3A_249 = tpu.memref_slice %arg14[%run_scoped3A_112, %dma_start3A_247, %dma_start3A_248] : memref<2x128x128xf32, #tpu.memory_space<vmem>> -> memref<1x128x128xf32, #tpu.memory_space<vmem>>
      %dma_start3A_250 = tpu.memref_squeeze %dma_start3A_249 : memref<1x128x128xf32, #tpu.memory_space<vmem>> -> memref<128x128xf32, #tpu.memory_space<vmem>>
      %dma_start3A_251 = arith.constant 0 : i32
      %dma_start3A_252 = tpu.memref_slice %arg9[%add3A_111, %dma_start3A_251] : memref<16384x128xf32, #tpu.memory_space<hbm>> -> memref<128x128xf32, #tpu.memory_space<hbm>>
      %dma_start3A_253 = arith.constant 0 : i32
      %dma_start3A_254 = tpu.memref_slice %arg9[%add3A_111, %dma_start3A_253] : memref<16384x128xf32, #tpu.memory_space<hbm>> -> memref<128x128xf32, #tpu.memory_space<hbm>>
      %dma_start3A_255 = arith.constant 0 : i32
      %dma_start3A_256 = arith.constant 0 : i32
      %dma_start3A_257 = tpu.memref_slice %arg14[%run_scoped3A_112, %dma_start3A_255, %dma_start3A_256] : memref<2x128x128xf32, #tpu.memory_space<vmem>> -> memref<1x128x128xf32, #tpu.memory_space<vmem>>
      %dma_start3A_258 = tpu.memref_squeeze %dma_start3A_257 : memref<1x128x128xf32, #tpu.memory_space<vmem>> -> memref<128x128xf32, #tpu.memory_space<vmem>>
      tpu.enqueue_dma source(%dma_start3A_258 : memref<128x128xf32, #tpu.memory_space<vmem>>) target(%dma_start3A_254 : memref<128x128xf32, #tpu.memory_space<hbm>>) target_semaphore(%run_scoped3A_246 : memref<!tpu.dma_semaphore, #tpu.memory_space<semaphore_mem>>)
      %dma_wait3A_259 = arith.constant 0 : i32
      %dma_wait3A_260 = arith.constant 0 : i32
      %dma_wait3A_261 = tpu.memref_slice %arg14[%run_scoped3A_112, %dma_wait3A_259, %dma_wait3A_260] : memref<2x128x128xf32, #tpu.memory_space<vmem>> -> memref<1x128x128xf32, #tpu.memory_space<vmem>>
      %dma_wait3A_262 = tpu.memref_squeeze %dma_wait3A_261 : memref<1x128x128xf32, #tpu.memory_space<vmem>> -> memref<128x128xf32, #tpu.memory_space<vmem>>
      %dma_wait3A_263 = arith.constant 0 : i32
      %dma_wait3A_264 = tpu.memref_slice %arg9[%add3A_111, %dma_wait3A_263] : memref<16384x128xf32, #tpu.memory_space<hbm>> -> memref<128x128xf32, #tpu.memory_space<hbm>>
      %dma_wait3A_265 = arith.constant 0 : i32
      %dma_wait3A_266 = tpu.memref_slice %arg9[%add3A_111, %dma_wait3A_265] : memref<16384x128xf32, #tpu.memory_space<hbm>> -> memref<128x128xf32, #tpu.memory_space<hbm>>
      %dma_wait3A_267 = arith.constant 0 : i32
      %dma_wait3A_268 = arith.constant 0 : i32
      %dma_wait3A_269 = tpu.memref_slice %arg14[%run_scoped3A_112, %dma_wait3A_267, %dma_wait3A_268] : memref<2x128x128xf32, #tpu.memory_space<vmem>> -> memref<1x128x128xf32, #tpu.memory_space<vmem>>
      %dma_wait3A_270 = tpu.memref_squeeze %dma_wait3A_269 : memref<1x128x128xf32, #tpu.memory_space<vmem>> -> memref<128x128xf32, #tpu.memory_space<vmem>>
      tpu.wait_dma2 semaphore(%run_scoped3A_246 : memref<!tpu.dma_semaphore, #tpu.memory_space<semaphore_mem>>) src(%dma_wait3A_270 : memref<128x128xf32, #tpu.memory_space<vmem>>) dst(%dma_wait3A_266 : memref<128x128xf32, #tpu.memory_space<hbm>>)
      tpu.yield
    }) : () -> ()
    %dma_wait3A_113 = arith.constant 0 : i32
    %dma_wait3A_114 = arith.constant 1 : i32
    %dma_wait3A_115 = arith.constant 0 : i32
    %dma_wait3A_116 = arith.constant 0 : i32
    %dma_wait3A_117 = tpu.memref_slice %arg14[%dma_wait3A_114, %dma_wait3A_115, %dma_wait3A_116] : memref<2x128x128xf32, #tpu.memory_space<vmem>> -> memref<1x128x128xf32, #tpu.memory_space<vmem>>
    %dma_wait3A_118 = tpu.memref_squeeze %dma_wait3A_117 : memref<1x128x128xf32, #tpu.memory_space<vmem>> -> memref<128x128xf32, #tpu.memory_space<vmem>>
    %dma_wait3A_119 = arith.constant 0 : i32
    %dma_wait3A_120 = tpu.memref_slice %arg12[%dma_wait3A_113, %dma_wait3A_119] : memref<8x128xi32, #tpu.memory_space<vmem>> -> memref<1x128xi32, #tpu.memory_space<vmem>>
    %dma_wait3A_121 = tpu.memref_squeeze %dma_wait3A_120 : memref<1x128xi32, #tpu.memory_space<vmem>> -> memref<128xi32, #tpu.memory_space<vmem>>
    %dma_wait3A_122 = arith.constant 0 : i32
    %dma_wait3A_123 = arith.constant 0 : i32
    %dma_wait3A_124 = tpu.memref_slice %arg5[%dma_wait3A_122, %dma_wait3A_123] : memref<1000x128xf32, #tpu.memory_space<hbm>> -> memref<1000x128xf32, #tpu.memory_space<hbm>>
    tpu.wait_indirect_dma semaphore(%arg18 : memref<!tpu.dma_semaphore, #tpu.memory_space<semaphore_mem>>) src(%dma_wait3A_124 : memref<1000x128xf32, #tpu.memory_space<hbm>>) dst(%dma_wait3A_118 : memref<128x128xf32, #tpu.memory_space<vmem>>)
    %mul3A_125 = arith.constant 512 : i32
    %mul3A_126 = arith.muli %add3A, %mul3A_125 : i32
    %add3A_127 = arith.constant 384 : i32
    %add3A_128 = arith.addi %mul3A_126, %add3A_127 : i32
    %run_scoped3A_129 = arith.constant 1 : i32
    "tpu.region"() ({
      %run_scoped3A_246 = tpu.sem_alloc : memref<!tpu.dma_semaphore, #tpu.memory_space<semaphore_mem>>
      %dma_start3A_247 = arith.constant 0 : i32
      %dma_start3A_248 = arith.constant 0 : i32
      %dma_start3A_249 = tpu.memref_slice %arg14[%run_scoped3A_129, %dma_start3A_247, %dma_start3A_248] : memref<2x128x128xf32, #tpu.memory_space<vmem>> -> memref<1x128x128xf32, #tpu.memory_space<vmem>>
      %dma_start3A_250 = tpu.memref_squeeze %dma_start3A_249 : memref<1x128x128xf32, #tpu.memory_space<vmem>> -> memref<128x128xf32, #tpu.memory_space<vmem>>
      %dma_start3A_251 = arith.constant 0 : i32
      %dma_start3A_252 = tpu.memref_slice %arg9[%add3A_128, %dma_start3A_251] : memref<16384x128xf32, #tpu.memory_space<hbm>> -> memref<128x128xf32, #tpu.memory_space<hbm>>
      %dma_start3A_253 = arith.constant 0 : i32
      %dma_start3A_254 = tpu.memref_slice %arg9[%add3A_128, %dma_start3A_253] : memref<16384x128xf32, #tpu.memory_space<hbm>> -> memref<128x128xf32, #tpu.memory_space<hbm>>
      %dma_start3A_255 = arith.constant 0 : i32
      %dma_start3A_256 = arith.constant 0 : i32
      %dma_start3A_257 = tpu.memref_slice %arg14[%run_scoped3A_129, %dma_start3A_255, %dma_start3A_256] : memref<2x128x128xf32, #tpu.memory_space<vmem>> -> memref<1x128x128xf32, #tpu.memory_space<vmem>>
      %dma_start3A_258 = tpu.memref_squeeze %dma_start3A_257 : memref<1x128x128xf32, #tpu.memory_space<vmem>> -> memref<128x128xf32, #tpu.memory_space<vmem>>
      tpu.enqueue_dma source(%dma_start3A_258 : memref<128x128xf32, #tpu.memory_space<vmem>>) target(%dma_start3A_254 : memref<128x128xf32, #tpu.memory_space<hbm>>) target_semaphore(%run_scoped3A_246 : memref<!tpu.dma_semaphore, #tpu.memory_space<semaphore_mem>>)
      %dma_wait3A_259 = arith.constant 0 : i32
      %dma_wait3A_260 = arith.constant 0 : i32
      %dma_wait3A_261 = tpu.memref_slice %arg14[%run_scoped3A_129, %dma_wait3A_259, %dma_wait3A_260] : memref<2x128x128xf32, #tpu.memory_space<vmem>> -> memref<1x128x128xf32, #tpu.memory_space<vmem>>
      %dma_wait3A_262 = tpu.memref_squeeze %dma_wait3A_261 : memref<1x128x128xf32, #tpu.memory_space<vmem>> -> memref<128x128xf32, #tpu.memory_space<vmem>>
      %dma_wait3A_263 = arith.constant 0 : i32
      %dma_wait3A_264 = tpu.memref_slice %arg9[%add3A_128, %dma_wait3A_263] : memref<16384x128xf32, #tpu.memory_space<hbm>> -> memref<128x128xf32, #tpu.memory_space<hbm>>
      %dma_wait3A_265 = arith.constant 0 : i32
      %dma_wait3A_266 = tpu.memref_slice %arg9[%add3A_128, %dma_wait3A_265] : memref<16384x128xf32, #tpu.memory_space<hbm>> -> memref<128x128xf32, #tpu.memory_space<hbm>>
      %dma_wait3A_267 = arith.constant 0 : i32
      %dma_wait3A_268 = arith.constant 0 : i32
      %dma_wait3A_269 = tpu.memref_slice %arg14[%run_scoped3A_129, %dma_wait3A_267, %dma_wait3A_268] : memref<2x128x128xf32, #tpu.memory_space<vmem>> -> memref<1x128x128xf32, #tpu.memory_space<vmem>>
      %dma_wait3A_270 = tpu.memref_squeeze %dma_wait3A_269 : memref<1x128x128xf32, #tpu.memory_space<vmem>> -> memref<128x128xf32, #tpu.memory_space<vmem>>
      tpu.wait_dma2 semaphore(%run_scoped3A_246 : memref<!tpu.dma_semaphore, #tpu.memory_space<semaphore_mem>>) src(%dma_wait3A_270 : memref<128x128xf32, #tpu.memory_space<vmem>>) dst(%dma_wait3A_266 : memref<128x128xf32, #tpu.memory_space<hbm>>)
      tpu.yield
    }) : () -> ()
    %dma_start3A_130 = arith.constant 4 : i32
    %dma_start3A_131 = arith.constant 0 : i32
    %dma_start3A_132 = arith.constant 0 : i32
    %dma_start3A_133 = arith.constant 0 : i32
    %dma_start3A_134 = tpu.memref_slice %arg14[%dma_start3A_131, %dma_start3A_132, %dma_start3A_133] : memref<2x128x128xf32, #tpu.memory_space<vmem>> -> memref<1x128x128xf32, #tpu.memory_space<vmem>>
    %dma_start3A_135 = tpu.memref_squeeze %dma_start3A_134 : memref<1x128x128xf32, #tpu.memory_space<vmem>> -> memref<128x128xf32, #tpu.memory_space<vmem>>
    %dma_start3A_136 = arith.constant 0 : i32
    %dma_start3A_137 = tpu.memref_slice %arg12[%dma_start3A_130, %dma_start3A_136] : memref<8x128xi32, #tpu.memory_space<vmem>> -> memref<1x128xi32, #tpu.memory_space<vmem>>
    %dma_start3A_138 = tpu.memref_squeeze %dma_start3A_137 : memref<1x128xi32, #tpu.memory_space<vmem>> -> memref<128xi32, #tpu.memory_space<vmem>>
    %dma_start3A_139 = arith.constant 0 : i32
    %dma_start3A_140 = arith.constant 0 : i32
    %dma_start3A_141 = tpu.memref_slice %arg6[%dma_start3A_139, %dma_start3A_140] : memref<10000x128xf32, #tpu.memory_space<hbm>> -> memref<10000x128xf32, #tpu.memory_space<hbm>>
    tpu.enqueue_indirect_dma source(%dma_start3A_141 : memref<10000x128xf32, #tpu.memory_space<hbm>>) target(%dma_start3A_135 : memref<128x128xf32, #tpu.memory_space<vmem>>) offsets(%dma_start3A_138 : memref<128xi32, #tpu.memory_space<vmem>>) semaphore(%arg17 : memref<!tpu.dma_semaphore, #tpu.memory_space<semaphore_mem>>)
    %dma_start3A_142 = arith.constant 5 : i32
    %dma_start3A_143 = arith.constant 1 : i32
    %dma_start3A_144 = arith.constant 0 : i32
    %dma_start3A_145 = arith.constant 0 : i32
    %dma_start3A_146 = tpu.memref_slice %arg14[%dma_start3A_143, %dma_start3A_144, %dma_start3A_145] : memref<2x128x128xf32, #tpu.memory_space<vmem>> -> memref<1x128x128xf32, #tpu.memory_space<vmem>>
    %dma_start3A_147 = tpu.memref_squeeze %dma_start3A_146 : memref<1x128x128xf32, #tpu.memory_space<vmem>> -> memref<128x128xf32, #tpu.memory_space<vmem>>
    %dma_start3A_148 = arith.constant 0 : i32
    %dma_start3A_149 = tpu.memref_slice %arg12[%dma_start3A_142, %dma_start3A_148] : memref<8x128xi32, #tpu.memory_space<vmem>> -> memref<1x128xi32, #tpu.memory_space<vmem>>
    %dma_start3A_150 = tpu.memref_squeeze %dma_start3A_149 : memref<1x128xi32, #tpu.memory_space<vmem>> -> memref<128xi32, #tpu.memory_space<vmem>>
    %dma_start3A_151 = arith.constant 0 : i32
    %dma_start3A_152 = arith.constant 0 : i32
    %dma_start3A_153 = tpu.memref_slice %arg6[%dma_start3A_151, %dma_start3A_152] : memref<10000x128xf32, #tpu.memory_space<hbm>> -> memref<10000x128xf32, #tpu.memory_space<hbm>>
    tpu.enqueue_indirect_dma source(%dma_start3A_153 : memref<10000x128xf32, #tpu.memory_space<hbm>>) target(%dma_start3A_147 : memref<128x128xf32, #tpu.memory_space<vmem>>) offsets(%dma_start3A_150 : memref<128xi32, #tpu.memory_space<vmem>>) semaphore(%arg18 : memref<!tpu.dma_semaphore, #tpu.memory_space<semaphore_mem>>)
    %dma_wait3A_154 = arith.constant 0 : i32
    %dma_wait3A_155 = arith.constant 0 : i32
    %dma_wait3A_156 = arith.constant 0 : i32
    %dma_wait3A_157 = arith.constant 0 : i32
    %dma_wait3A_158 = tpu.memref_slice %arg14[%dma_wait3A_155, %dma_wait3A_156, %dma_wait3A_157] : memref<2x128x128xf32, #tpu.memory_space<vmem>> -> memref<1x128x128xf32, #tpu.memory_space<vmem>>
    %dma_wait3A_159 = tpu.memref_squeeze %dma_wait3A_158 : memref<1x128x128xf32, #tpu.memory_space<vmem>> -> memref<128x128xf32, #tpu.memory_space<vmem>>
    %dma_wait3A_160 = arith.constant 0 : i32
    %dma_wait3A_161 = tpu.memref_slice %arg12[%dma_wait3A_154, %dma_wait3A_160] : memref<8x128xi32, #tpu.memory_space<vmem>> -> memref<1x128xi32, #tpu.memory_space<vmem>>
    %dma_wait3A_162 = tpu.memref_squeeze %dma_wait3A_161 : memref<1x128xi32, #tpu.memory_space<vmem>> -> memref<128xi32, #tpu.memory_space<vmem>>
    %dma_wait3A_163 = arith.constant 0 : i32
    %dma_wait3A_164 = arith.constant 0 : i32
    %dma_wait3A_165 = tpu.memref_slice %arg6[%dma_wait3A_163, %dma_wait3A_164] : memref<10000x128xf32, #tpu.memory_space<hbm>> -> memref<10000x128xf32, #tpu.memory_space<hbm>>
    tpu.wait_indirect_dma semaphore(%arg17 : memref<!tpu.dma_semaphore, #tpu.memory_space<semaphore_mem>>) src(%dma_wait3A_165 : memref<10000x128xf32, #tpu.memory_space<hbm>>) dst(%dma_wait3A_159 : memref<128x128xf32, #tpu.memory_space<vmem>>)
    %mul3A_166 = arith.constant 512 : i32
    %mul3A_167 = arith.muli %add3A, %mul3A_166 : i32
    %add3A_168 = arith.constant 0 : i32
    %add3A_169 = arith.addi %mul3A_167, %add3A_168 : i32
    %run_scoped3A_170 = arith.constant 0 : i32
    "tpu.region"() ({
      %run_scoped3A_246 = tpu.sem_alloc : memref<!tpu.dma_semaphore, #tpu.memory_space<semaphore_mem>>
      %dma_start3A_247 = arith.constant 0 : i32
      %dma_start3A_248 = arith.constant 0 : i32
      %dma_start3A_249 = tpu.memref_slice %arg14[%run_scoped3A_170, %dma_start3A_247, %dma_start3A_248] : memref<2x128x128xf32, #tpu.memory_space<vmem>> -> memref<1x128x128xf32, #tpu.memory_space<vmem>>
      %dma_start3A_250 = tpu.memref_squeeze %dma_start3A_249 : memref<1x128x128xf32, #tpu.memory_space<vmem>> -> memref<128x128xf32, #tpu.memory_space<vmem>>
      %dma_start3A_251 = arith.constant 0 : i32
      %dma_start3A_252 = tpu.memref_slice %arg10[%add3A_169, %dma_start3A_251] : memref<16384x128xf32, #tpu.memory_space<hbm>> -> memref<128x128xf32, #tpu.memory_space<hbm>>
      %dma_start3A_253 = arith.constant 0 : i32
      %dma_start3A_254 = tpu.memref_slice %arg10[%add3A_169, %dma_start3A_253] : memref<16384x128xf32, #tpu.memory_space<hbm>> -> memref<128x128xf32, #tpu.memory_space<hbm>>
      %dma_start3A_255 = arith.constant 0 : i32
      %dma_start3A_256 = arith.constant 0 : i32
      %dma_start3A_257 = tpu.memref_slice %arg14[%run_scoped3A_170, %dma_start3A_255, %dma_start3A_256] : memref<2x128x128xf32, #tpu.memory_space<vmem>> -> memref<1x128x128xf32, #tpu.memory_space<vmem>>
      %dma_start3A_258 = tpu.memref_squeeze %dma_start3A_257 : memref<1x128x128xf32, #tpu.memory_space<vmem>> -> memref<128x128xf32, #tpu.memory_space<vmem>>
      tpu.enqueue_dma source(%dma_start3A_258 : memref<128x128xf32, #tpu.memory_space<vmem>>) target(%dma_start3A_254 : memref<128x128xf32, #tpu.memory_space<hbm>>) target_semaphore(%run_scoped3A_246 : memref<!tpu.dma_semaphore, #tpu.memory_space<semaphore_mem>>)
      %dma_wait3A_259 = arith.constant 0 : i32
      %dma_wait3A_260 = arith.constant 0 : i32
      %dma_wait3A_261 = tpu.memref_slice %arg14[%run_scoped3A_170, %dma_wait3A_259, %dma_wait3A_260] : memref<2x128x128xf32, #tpu.memory_space<vmem>> -> memref<1x128x128xf32, #tpu.memory_space<vmem>>
      %dma_wait3A_262 = tpu.memref_squeeze %dma_wait3A_261 : memref<1x128x128xf32, #tpu.memory_space<vmem>> -> memref<128x128xf32, #tpu.memory_space<vmem>>
      %dma_wait3A_263 = arith.constant 0 : i32
      %dma_wait3A_264 = tpu.memref_slice %arg10[%add3A_169, %dma_wait3A_263] : memref<16384x128xf32, #tpu.memory_space<hbm>> -> memref<128x128xf32, #tpu.memory_space<hbm>>
      %dma_wait3A_265 = arith.constant 0 : i32
      %dma_wait3A_266 = tpu.memref_slice %arg10[%add3A_169, %dma_wait3A_265] : memref<16384x128xf32, #tpu.memory_space<hbm>> -> memref<128x128xf32, #tpu.memory_space<hbm>>
      %dma_wait3A_267 = arith.constant 0 : i32
      %dma_wait3A_268 = arith.constant 0 : i32
      %dma_wait3A_269 = tpu.memref_slice %arg14[%run_scoped3A_170, %dma_wait3A_267, %dma_wait3A_268] : memref<2x128x128xf32, #tpu.memory_space<vmem>> -> memref<1x128x128xf32, #tpu.memory_space<vmem>>
      %dma_wait3A_270 = tpu.memref_squeeze %dma_wait3A_269 : memref<1x128x128xf32, #tpu.memory_space<vmem>> -> memref<128x128xf32, #tpu.memory_space<vmem>>
      tpu.wait_dma2 semaphore(%run_scoped3A_246 : memref<!tpu.dma_semaphore, #tpu.memory_space<semaphore_mem>>) src(%dma_wait3A_270 : memref<128x128xf32, #tpu.memory_space<vmem>>) dst(%dma_wait3A_266 : memref<128x128xf32, #tpu.memory_space<hbm>>)
      tpu.yield
    }) : () -> ()
    %dma_start3A_171 = arith.constant 6 : i32
    %dma_start3A_172 = arith.constant 0 : i32
    %dma_start3A_173 = arith.constant 0 : i32
    %dma_start3A_174 = arith.constant 0 : i32
    %dma_start3A_175 = tpu.memref_slice %arg14[%dma_start3A_172, %dma_start3A_173, %dma_start3A_174] : memref<2x128x128xf32, #tpu.memory_space<vmem>> -> memref<1x128x128xf32, #tpu.memory_space<vmem>>
    %dma_start3A_176 = tpu.memref_squeeze %dma_start3A_175 : memref<1x128x128xf32, #tpu.memory_space<vmem>> -> memref<128x128xf32, #tpu.memory_space<vmem>>
    %dma_start3A_177 = arith.constant 0 : i32
    %dma_start3A_178 = tpu.memref_slice %arg12[%dma_start3A_171, %dma_start3A_177] : memref<8x128xi32, #tpu.memory_space<vmem>> -> memref<1x128xi32, #tpu.memory_space<vmem>>
    %dma_start3A_179 = tpu.memref_squeeze %dma_start3A_178 : memref<1x128xi32, #tpu.memory_space<vmem>> -> memref<128xi32, #tpu.memory_space<vmem>>
    %dma_start3A_180 = arith.constant 0 : i32
    %dma_start3A_181 = arith.constant 0 : i32
    %dma_start3A_182 = tpu.memref_slice %arg6[%dma_start3A_180, %dma_start3A_181] : memref<10000x128xf32, #tpu.memory_space<hbm>> -> memref<10000x128xf32, #tpu.memory_space<hbm>>
    tpu.enqueue_indirect_dma source(%dma_start3A_182 : memref<10000x128xf32, #tpu.memory_space<hbm>>) target(%dma_start3A_176 : memref<128x128xf32, #tpu.memory_space<vmem>>) offsets(%dma_start3A_179 : memref<128xi32, #tpu.memory_space<vmem>>) semaphore(%arg17 : memref<!tpu.dma_semaphore, #tpu.memory_space<semaphore_mem>>)
    %dma_wait3A_183 = arith.constant 0 : i32
    %dma_wait3A_184 = arith.constant 1 : i32
    %dma_wait3A_185 = arith.constant 0 : i32
    %dma_wait3A_186 = arith.constant 0 : i32
    %dma_wait3A_187 = tpu.memref_slice %arg14[%dma_wait3A_184, %dma_wait3A_185, %dma_wait3A_186] : memref<2x128x128xf32, #tpu.memory_space<vmem>> -> memref<1x128x128xf32, #tpu.memory_space<vmem>>
    %dma_wait3A_188 = tpu.memref_squeeze %dma_wait3A_187 : memref<1x128x128xf32, #tpu.memory_space<vmem>> -> memref<128x128xf32, #tpu.memory_space<vmem>>
    %dma_wait3A_189 = arith.constant 0 : i32
    %dma_wait3A_190 = tpu.memref_slice %arg12[%dma_wait3A_183, %dma_wait3A_189] : memref<8x128xi32, #tpu.memory_space<vmem>> -> memref<1x128xi32, #tpu.memory_space<vmem>>
    %dma_wait3A_191 = tpu.memref_squeeze %dma_wait3A_190 : memref<1x128xi32, #tpu.memory_space<vmem>> -> memref<128xi32, #tpu.memory_space<vmem>>
    %dma_wait3A_192 = arith.constant 0 : i32
    %dma_wait3A_193 = arith.constant 0 : i32
    %dma_wait3A_194 = tpu.memref_slice %arg6[%dma_wait3A_192, %dma_wait3A_193] : memref<10000x128xf32, #tpu.memory_space<hbm>> -> memref<10000x128xf32, #tpu.memory_space<hbm>>
    tpu.wait_indirect_dma semaphore(%arg18 : memref<!tpu.dma_semaphore, #tpu.memory_space<semaphore_mem>>) src(%dma_wait3A_194 : memref<10000x128xf32, #tpu.memory_space<hbm>>) dst(%dma_wait3A_188 : memref<128x128xf32, #tpu.memory_space<vmem>>)
    %mul3A_195 = arith.constant 512 : i32
    %mul3A_196 = arith.muli %add3A, %mul3A_195 : i32
    %add3A_197 = arith.constant 128 : i32
    %add3A_198 = arith.addi %mul3A_196, %add3A_197 : i32
    %run_scoped3A_199 = arith.constant 1 : i32
    "tpu.region"() ({
      %run_scoped3A_246 = tpu.sem_alloc : memref<!tpu.dma_semaphore, #tpu.memory_space<semaphore_mem>>
      %dma_start3A_247 = arith.constant 0 : i32
      %dma_start3A_248 = arith.constant 0 : i32
      %dma_start3A_249 = tpu.memref_slice %arg14[%run_scoped3A_199, %dma_start3A_247, %dma_start3A_248] : memref<2x128x128xf32, #tpu.memory_space<vmem>> -> memref<1x128x128xf32, #tpu.memory_space<vmem>>
      %dma_start3A_250 = tpu.memref_squeeze %dma_start3A_249 : memref<1x128x128xf32, #tpu.memory_space<vmem>> -> memref<128x128xf32, #tpu.memory_space<vmem>>
      %dma_start3A_251 = arith.constant 0 : i32
      %dma_start3A_252 = tpu.memref_slice %arg10[%add3A_198, %dma_start3A_251] : memref<16384x128xf32, #tpu.memory_space<hbm>> -> memref<128x128xf32, #tpu.memory_space<hbm>>
      %dma_start3A_253 = arith.constant 0 : i32
      %dma_start3A_254 = tpu.memref_slice %arg10[%add3A_198, %dma_start3A_253] : memref<16384x128xf32, #tpu.memory_space<hbm>> -> memref<128x128xf32, #tpu.memory_space<hbm>>
      %dma_start3A_255 = arith.constant 0 : i32
      %dma_start3A_256 = arith.constant 0 : i32
      %dma_start3A_257 = tpu.memref_slice %arg14[%run_scoped3A_199, %dma_start3A_255, %dma_start3A_256] : memref<2x128x128xf32, #tpu.memory_space<vmem>> -> memref<1x128x128xf32, #tpu.memory_space<vmem>>
      %dma_start3A_258 = tpu.memref_squeeze %dma_start3A_257 : memref<1x128x128xf32, #tpu.memory_space<vmem>> -> memref<128x128xf32, #tpu.memory_space<vmem>>
      tpu.enqueue_dma source(%dma_start3A_258 : memref<128x128xf32, #tpu.memory_space<vmem>>) target(%dma_start3A_254 : memref<128x128xf32, #tpu.memory_space<hbm>>) target_semaphore(%run_scoped3A_246 : memref<!tpu.dma_semaphore, #tpu.memory_space<semaphore_mem>>)
      %dma_wait3A_259 = arith.constant 0 : i32
      %dma_wait3A_260 = arith.constant 0 : i32
      %dma_wait3A_261 = tpu.memref_slice %arg14[%run_scoped3A_199, %dma_wait3A_259, %dma_wait3A_260] : memref<2x128x128xf32, #tpu.memory_space<vmem>> -> memref<1x128x128xf32, #tpu.memory_space<vmem>>
      %dma_wait3A_262 = tpu.memref_squeeze %dma_wait3A_261 : memref<1x128x128xf32, #tpu.memory_space<vmem>> -> memref<128x128xf32, #tpu.memory_space<vmem>>
      %dma_wait3A_263 = arith.constant 0 : i32
      %dma_wait3A_264 = tpu.memref_slice %arg10[%add3A_198, %dma_wait3A_263] : memref<16384x128xf32, #tpu.memory_space<hbm>> -> memref<128x128xf32, #tpu.memory_space<hbm>>
      %dma_wait3A_265 = arith.constant 0 : i32
      %dma_wait3A_266 = tpu.memref_slice %arg10[%add3A_198, %dma_wait3A_265] : memref<16384x128xf32, #tpu.memory_space<hbm>> -> memref<128x128xf32, #tpu.memory_space<hbm>>
      %dma_wait3A_267 = arith.constant 0 : i32
      %dma_wait3A_268 = arith.constant 0 : i32
      %dma_wait3A_269 = tpu.memref_slice %arg14[%run_scoped3A_199, %dma_wait3A_267, %dma_wait3A_268] : memref<2x128x128xf32, #tpu.memory_space<vmem>> -> memref<1x128x128xf32, #tpu.memory_space<vmem>>
      %dma_wait3A_270 = tpu.memref_squeeze %dma_wait3A_269 : memref<1x128x128xf32, #tpu.memory_space<vmem>> -> memref<128x128xf32, #tpu.memory_space<vmem>>
      tpu.wait_dma2 semaphore(%run_scoped3A_246 : memref<!tpu.dma_semaphore, #tpu.memory_space<semaphore_mem>>) src(%dma_wait3A_270 : memref<128x128xf32, #tpu.memory_space<vmem>>) dst(%dma_wait3A_266 : memref<128x128xf32, #tpu.memory_space<hbm>>)
      tpu.yield
    }) : () -> ()
    %dma_start3A_200 = arith.constant 7 : i32
    %dma_start3A_201 = arith.constant 1 : i32
    %dma_start3A_202 = arith.constant 0 : i32
    %dma_start3A_203 = arith.constant 0 : i32
    %dma_start3A_204 = tpu.memref_slice %arg14[%dma_start3A_201, %dma_start3A_202, %dma_start3A_203] : memref<2x128x128xf32, #tpu.memory_space<vmem>> -> memref<1x128x128xf32, #tpu.memory_space<vmem>>
    %dma_start3A_205 = tpu.memref_squeeze %dma_start3A_204 : memref<1x128x128xf32, #tpu.memory_space<vmem>> -> memref<128x128xf32, #tpu.memory_space<vmem>>
    %dma_start3A_206 = arith.constant 0 : i32
    %dma_start3A_207 = tpu.memref_slice %arg12[%dma_start3A_200, %dma_start3A_206] : memref<8x128xi32, #tpu.memory_space<vmem>> -> memref<1x128xi32, #tpu.memory_space<vmem>>
    %dma_start3A_208 = tpu.memref_squeeze %dma_start3A_207 : memref<1x128xi32, #tpu.memory_space<vmem>> -> memref<128xi32, #tpu.memory_space<vmem>>
    %dma_start3A_209 = arith.constant 0 : i32
    %dma_start3A_210 = arith.constant 0 : i32
    %dma_start3A_211 = tpu.memref_slice %arg6[%dma_start3A_209, %dma_start3A_210] : memref<10000x128xf32, #tpu.memory_space<hbm>> -> memref<10000x128xf32, #tpu.memory_space<hbm>>
    tpu.enqueue_indirect_dma source(%dma_start3A_211 : memref<10000x128xf32, #tpu.memory_space<hbm>>) target(%dma_start3A_205 : memref<128x128xf32, #tpu.memory_space<vmem>>) offsets(%dma_start3A_208 : memref<128xi32, #tpu.memory_space<vmem>>) semaphore(%arg18 : memref<!tpu.dma_semaphore, #tpu.memory_space<semaphore_mem>>)
    %dma_wait3A_212 = arith.constant 0 : i32
    %dma_wait3A_213 = arith.constant 0 : i32
    %dma_wait3A_214 = arith.constant 0 : i32
    %dma_wait3A_215 = arith.constant 0 : i32
    %dma_wait3A_216 = tpu.memref_slice %arg14[%dma_wait3A_213, %dma_wait3A_214, %dma_wait3A_215] : memref<2x128x128xf32, #tpu.memory_space<vmem>> -> memref<1x128x128xf32, #tpu.memory_space<vmem>>
    %dma_wait3A_217 = tpu.memref_squeeze %dma_wait3A_216 : memref<1x128x128xf32, #tpu.memory_space<vmem>> -> memref<128x128xf32, #tpu.memory_space<vmem>>
    %dma_wait3A_218 = arith.constant 0 : i32
    %dma_wait3A_219 = tpu.memref_slice %arg12[%dma_wait3A_212, %dma_wait3A_218] : memref<8x128xi32, #tpu.memory_space<vmem>> -> memref<1x128xi32, #tpu.memory_space<vmem>>
    %dma_wait3A_220 = tpu.memref_squeeze %dma_wait3A_219 : memref<1x128xi32, #tpu.memory_space<vmem>> -> memref<128xi32, #tpu.memory_space<vmem>>
    %dma_wait3A_221 = arith.constant 0 : i32
    %dma_wait3A_222 = arith.constant 0 : i32
    %dma_wait3A_223 = tpu.memref_slice %arg6[%dma_wait3A_221, %dma_wait3A_222] : memref<10000x128xf32, #tpu.memory_space<hbm>> -> memref<10000x128xf32, #tpu.memory_space<hbm>>
    tpu.wait_indirect_dma semaphore(%arg17 : memref<!tpu.dma_semaphore, #tpu.memory_space<semaphore_mem>>) src(%dma_wait3A_223 : memref<10000x128xf32, #tpu.memory_space<hbm>>) dst(%dma_wait3A_217 : memref<128x128xf32, #tpu.memory_space<vmem>>)
    %mul3A_224 = arith.constant 512 : i32
    %mul3A_225 = arith.muli %add3A, %mul3A_224 : i32
    %add3A_226 = arith.constant 256 : i32
    %add3A_227 = arith.addi %mul3A_225, %add3A_226 : i32
    %run_scoped3A_228 = arith.constant 0 : i32
    "tpu.region"() ({
      %run_scoped3A_246 = tpu.sem_alloc : memref<!tpu.dma_semaphore, #tpu.memory_space<semaphore_mem>>
      %dma_start3A_247 = arith.constant 0 : i32
      %dma_start3A_248 = arith.constant 0 : i32
      %dma_start3A_249 = tpu.memref_slice %arg14[%run_scoped3A_228, %dma_start3A_247, %dma_start3A_248] : memref<2x128x128xf32, #tpu.memory_space<vmem>> -> memref<1x128x128xf32, #tpu.memory_space<vmem>>
      %dma_start3A_250 = tpu.memref_squeeze %dma_start3A_249 : memref<1x128x128xf32, #tpu.memory_space<vmem>> -> memref<128x128xf32, #tpu.memory_space<vmem>>
      %dma_start3A_251 = arith.constant 0 : i32
      %dma_start3A_252 = tpu.memref_slice %arg10[%add3A_227, %dma_start3A_251] : memref<16384x128xf32, #tpu.memory_space<hbm>> -> memref<128x128xf32, #tpu.memory_space<hbm>>
      %dma_start3A_253 = arith.constant 0 : i32
      %dma_start3A_254 = tpu.memref_slice %arg10[%add3A_227, %dma_start3A_253] : memref<16384x128xf32, #tpu.memory_space<hbm>> -> memref<128x128xf32, #tpu.memory_space<hbm>>
      %dma_start3A_255 = arith.constant 0 : i32
      %dma_start3A_256 = arith.constant 0 : i32
      %dma_start3A_257 = tpu.memref_slice %arg14[%run_scoped3A_228, %dma_start3A_255, %dma_start3A_256] : memref<2x128x128xf32, #tpu.memory_space<vmem>> -> memref<1x128x128xf32, #tpu.memory_space<vmem>>
      %dma_start3A_258 = tpu.memref_squeeze %dma_start3A_257 : memref<1x128x128xf32, #tpu.memory_space<vmem>> -> memref<128x128xf32, #tpu.memory_space<vmem>>
      tpu.enqueue_dma source(%dma_start3A_258 : memref<128x128xf32, #tpu.memory_space<vmem>>) target(%dma_start3A_254 : memref<128x128xf32, #tpu.memory_space<hbm>>) target_semaphore(%run_scoped3A_246 : memref<!tpu.dma_semaphore, #tpu.memory_space<semaphore_mem>>)
      %dma_wait3A_259 = arith.constant 0 : i32
      %dma_wait3A_260 = arith.constant 0 : i32
      %dma_wait3A_261 = tpu.memref_slice %arg14[%run_scoped3A_228, %dma_wait3A_259, %dma_wait3A_260] : memref<2x128x128xf32, #tpu.memory_space<vmem>> -> memref<1x128x128xf32, #tpu.memory_space<vmem>>
      %dma_wait3A_262 = tpu.memref_squeeze %dma_wait3A_261 : memref<1x128x128xf32, #tpu.memory_space<vmem>> -> memref<128x128xf32, #tpu.memory_space<vmem>>
      %dma_wait3A_263 = arith.constant 0 : i32
      %dma_wait3A_264 = tpu.memref_slice %arg10[%add3A_227, %dma_wait3A_263] : memref<16384x128xf32, #tpu.memory_space<hbm>> -> memref<128x128xf32, #tpu.memory_space<hbm>>
      %dma_wait3A_265 = arith.constant 0 : i32
      %dma_wait3A_266 = tpu.memref_slice %arg10[%add3A_227, %dma_wait3A_265] : memref<16384x128xf32, #tpu.memory_space<hbm>> -> memref<128x128xf32, #tpu.memory_space<hbm>>
      %dma_wait3A_267 = arith.constant 0 : i32
      %dma_wait3A_268 = arith.constant 0 : i32
      %dma_wait3A_269 = tpu.memref_slice %arg14[%run_scoped3A_228, %dma_wait3A_267, %dma_wait3A_268] : memref<2x128x128xf32, #tpu.memory_space<vmem>> -> memref<1x128x128xf32, #tpu.memory_space<vmem>>
      %dma_wait3A_270 = tpu.memref_squeeze %dma_wait3A_269 : memref<1x128x128xf32, #tpu.memory_space<vmem>> -> memref<128x128xf32, #tpu.memory_space<vmem>>
      tpu.wait_dma2 semaphore(%run_scoped3A_246 : memref<!tpu.dma_semaphore, #tpu.memory_space<semaphore_mem>>) src(%dma_wait3A_270 : memref<128x128xf32, #tpu.memory_space<vmem>>) dst(%dma_wait3A_266 : memref<128x128xf32, #tpu.memory_space<hbm>>)
      tpu.yield
    }) : () -> ()
    %dma_wait3A_229 = arith.constant 0 : i32
    %dma_wait3A_230 = arith.constant 1 : i32
    %dma_wait3A_231 = arith.constant 0 : i32
    %dma_wait3A_232 = arith.constant 0 : i32
    %dma_wait3A_233 = tpu.memref_slice %arg14[%dma_wait3A_230, %dma_wait3A_231, %dma_wait3A_232] : memref<2x128x128xf32, #tpu.memory_space<vmem>> -> memref<1x128x128xf32, #tpu.memory_space<vmem>>
    %dma_wait3A_234 = tpu.memref_squeeze %dma_wait3A_233 : memref<1x128x128xf32, #tpu.memory_space<vmem>> -> memref<128x128xf32, #tpu.memory_space<vmem>>
    %dma_wait3A_235 = arith.constant 0 : i32
    %dma_wait3A_236 = tpu.memref_slice %arg12[%dma_wait3A_229, %dma_wait3A_235] : memref<8x128xi32, #tpu.memory_space<vmem>> -> memref<1x128xi32, #tpu.memory_space<vmem>>
    %dma_wait3A_237 = tpu.memref_squeeze %dma_wait3A_236 : memref<1x128xi32, #tpu.memory_space<vmem>> -> memref<128xi32, #tpu.memory_space<vmem>>
    %dma_wait3A_238 = arith.constant 0 : i32
    %dma_wait3A_239 = arith.constant 0 : i32
    %dma_wait3A_240 = tpu.memref_slice %arg6[%dma_wait3A_238, %dma_wait3A_239] : memref<10000x128xf32, #tpu.memory_space<hbm>> -> memref<10000x128xf32, #tpu.memory_space<hbm>>
    tpu.wait_indirect_dma semaphore(%arg18 : memref<!tpu.dma_semaphore, #tpu.memory_space<semaphore_mem>>) src(%dma_wait3A_240 : memref<10000x128xf32, #tpu.memory_space<hbm>>) dst(%dma_wait3A_234 : memref<128x128xf32, #tpu.memory_space<vmem>>)
    %mul3A_241 = arith.constant 512 : i32
    %mul3A_242 = arith.muli %add3A, %mul3A_241 : i32
    %add3A_243 = arith.constant 384 : i32
    %add3A_244 = arith.addi %mul3A_242, %add3A_243 : i32
    %run_scoped3A_245 = arith.constant 1 : i32
    "tpu.region"() ({
      %run_scoped3A_246 = tpu.sem_alloc : memref<!tpu.dma_semaphore, #tpu.memory_space<semaphore_mem>>
      %dma_start3A_247 = arith.constant 0 : i32
      %dma_start3A_248 = arith.constant 0 : i32
      %dma_start3A_249 = tpu.memref_slice %arg14[%run_scoped3A_245, %dma_start3A_247, %dma_start3A_248] : memref<2x128x128xf32, #tpu.memory_space<vmem>> -> memref<1x128x128xf32, #tpu.memory_space<vmem>>
      %dma_start3A_250 = tpu.memref_squeeze %dma_start3A_249 : memref<1x128x128xf32, #tpu.memory_space<vmem>> -> memref<128x128xf32, #tpu.memory_space<vmem>>
      %dma_start3A_251 = arith.constant 0 : i32
      %dma_start3A_252 = tpu.memref_slice %arg10[%add3A_244, %dma_start3A_251] : memref<16384x128xf32, #tpu.memory_space<hbm>> -> memref<128x128xf32, #tpu.memory_space<hbm>>
      %dma_start3A_253 = arith.constant 0 : i32
      %dma_start3A_254 = tpu.memref_slice %arg10[%add3A_244, %dma_start3A_253] : memref<16384x128xf32, #tpu.memory_space<hbm>> -> memref<128x128xf32, #tpu.memory_space<hbm>>
      %dma_start3A_255 = arith.constant 0 : i32
      %dma_start3A_256 = arith.constant 0 : i32
      %dma_start3A_257 = tpu.memref_slice %arg14[%run_scoped3A_245, %dma_start3A_255, %dma_start3A_256] : memref<2x128x128xf32, #tpu.memory_space<vmem>> -> memref<1x128x128xf32, #tpu.memory_space<vmem>>
      %dma_start3A_258 = tpu.memref_squeeze %dma_start3A_257 : memref<1x128x128xf32, #tpu.memory_space<vmem>> -> memref<128x128xf32, #tpu.memory_space<vmem>>
      tpu.enqueue_dma source(%dma_start3A_258 : memref<128x128xf32, #tpu.memory_space<vmem>>) target(%dma_start3A_254 : memref<128x128xf32, #tpu.memory_space<hbm>>) target_semaphore(%run_scoped3A_246 : memref<!tpu.dma_semaphore, #tpu.memory_space<semaphore_mem>>)
      %dma_wait3A_259 = arith.constant 0 : i32
      %dma_wait3A_260 = arith.constant 0 : i32
      %dma_wait3A_261 = tpu.memref_slice %arg14[%run_scoped3A_245, %dma_wait3A_259, %dma_wait3A_260] : memref<2x128x128xf32, #tpu.memory_space<vmem>> -> memref<1x128x128xf32, #tpu.memory_space<vmem>>
      %dma_wait3A_262 = tpu.memref_squeeze %dma_wait3A_261 : memref<1x128x128xf32, #tpu.memory_space<vmem>> -> memref<128x128xf32, #tpu.memory_space<vmem>>
      %dma_wait3A_263 = arith.constant 0 : i32
      %dma_wait3A_264 = tpu.memref_slice %arg10[%add3A_244, %dma_wait3A_263] : memref<16384x128xf32, #tpu.memory_space<hbm>> -> memref<128x128xf32, #tpu.memory_space<hbm>>
      %dma_wait3A_265 = arith.constant 0 : i32
      %dma_wait3A_266 = tpu.memref_slice %arg10[%add3A_244, %dma_wait3A_265] : memref<16384x128xf32, #tpu.memory_space<hbm>> -> memref<128x128xf32, #tpu.memory_space<hbm>>
      %dma_wait3A_267 = arith.constant 0 : i32
      %dma_wait3A_268 = arith.constant 0 : i32
      %dma_wait3A_269 = tpu.memref_slice %arg14[%run_scoped3A_245, %dma_wait3A_267, %dma_wait3A_268] : memref<2x128x128xf32, #tpu.memory_space<vmem>> -> memref<1x128x128xf32, #tpu.memory_space<vmem>>
      %dma_wait3A_270 = tpu.memref_squeeze %dma_wait3A_269 : memref<1x128x128xf32, #tpu.memory_space<vmem>> -> memref<128x128xf32, #tpu.memory_space<vmem>>
      tpu.wait_dma2 semaphore(%run_scoped3A_246 : memref<!tpu.dma_semaphore, #tpu.memory_space<semaphore_mem>>) src(%dma_wait3A_270 : memref<128x128xf32, #tpu.memory_space<vmem>>) dst(%dma_wait3A_266 : memref<128x128xf32, #tpu.memory_space<hbm>>)
      tpu.yield
    }) : () -> ()
    return
  }
}

</mosaic_0001>

<sc_bundles>
// kernel: kernel.3.cloned.1.call-start
scs
__scs_entry_jumppad:
0x0: {  	(pc) =	sbr.rel $0x88, $3  }
0x1: {  	(tag) =	ssettag $0x0;
	lr =	simm.s32 $0x1  }
0x2: {  	[smem:$0x3F9A] =	sst lr;
	_ =	strace $0xD0000000  }
0x3: {  	_ = 	snop  }
0x4: {  	_ = 	snop  }
0x5: {  	_ = 	snop  }
0x6: {  	_ = 	snop  }
0x7: {  	_ = 	snop  }
__scs_overlays_trampoline_lowered:
0x8: {  	[smem:$0x3FA9] =	sst s0  }
0x9: {  	[smem:$0x3FAA] =	sst s1  }
0xa: {  	[smem:$0x3FAB] =	sst s2  }
0xb: {  	[smem:$0x3FAC] =	sst s3  }
0xc: {  	[smem:$0x3FAD] =	sst s4  }
0xd: {  	[smem:$0x3FAE] =	sst s5  }
0xe: {  	[smem:$0x3FAF] =	sst s6  }
0xf: {  	[smem:$0x3FB0] =	sst s7  }
0x10: {  	[smem:$0x3FB1] =	sst s8  }
0x11: {  	[smem:$0x3FB2] =	sst s9;
	s0 =	simm.s32 @!p0 $0x0  }
0x12: {  	s1 =	sld [smem:$0x3F98];
	s0 =	simm.s32 @p0 $0x1  }
0x13: {  	[smem:$0x3FB3] =	sst s0;
	s0 =	simm.s32 @!p1 $0x0  }
0x14: {  	s2 =	sld [smem:$0x3F97];
	s0 =	simm.s32 @p1 $0x1  }
0x15: {  	[smem:$0x3FB4] =	sst s0;
	s0 =	simm.s32 @!p2 $0x0  }
0x16: {  	s3 =	sld [smem:$0x3FDB];
	s0 =	simm.s32 @p2 $0x1  }
0x17: {  	s4 =	simm.s32 $0x1BF5;
	[smem:$0x3FB6] =	sst s0  }
0x18: {  	s0 =	sld [smem:$0x3F99];
	_ =	swait.ge [sflag:s4], $0x0  }
0x19: {  	s7 =	sld [smem:$0x3F9A]  }
0x1a: {  	s8 =	sadd.s32 $0xFFFFE003, lr  }
0x1b: {  	s9 =	sadd.s32 $0xFFFFFEF7, lr;
	s5 =	simm.s32 $0xFFFFFFFF;
	p2 =	slt.u32 s8, $0xFFFFF086  }
0x1c: {  	p1 =	slt.u32 s9, $0xF7A;
	s5 =	simm.s32 @!p2 $0x0  }
0x1d: {  	s5 =	simm.s32 @p1 $0x1;
	p0 =	seq.s32 s7, s2  }
0x1e: {  	s7 =	smul.u32 @!p0 $0xF7A, s2;
	p2 =	seq.s32 @!p0 s5, $0x0  }
0x1f: {  	s9 =	smul.u32 $0xF7A, s1;
	s8 =	simm.s32 @!p0 $0x1BF5;
	p2 =	por !p2, p0  }
0x20: {  	[sflag:s8] =	ssyncset.s32 @!p0 $0xFFFFF086;
	s6 =	sadd.s32 @!p0 s3, s7;
	s7 =	simm.s32 @!p0 $0x108  }
0x21: {  	s3 =	sadd.s32 s3, s9;
	s6 =	sadd.s32 @!p0 $0x88, s6;
	s7 =	simm.s32 @p2 $0x1082  }
0x22: {  	[simem:s7], [sflag:s8] =	dma.local @!p0 [hbm:s6], $0xF7A  }
0x23: {  	s9 =	sor.u32 $0xD0000000, s2;
	s6 =	simm.s32 $0x108;
	_ =	swait.ge @!p0 [sflag:s8], $0x0  }
0x24: {  	s3 =	sadd.s32 $0x88, s3;
	s6 =	simm.s32 @!p1 $0x1082;
	[sflag:s4] =	ssyncset.s32 $0xFFFFF086  }
0x25: {  	[simem:s6], [sflag:s4] =	dma.local [hbm:s3], $0xF7A  }
0x26: {  	[smem:$0x3F9A] =	sst s1;
	(tag) =	ssettag s2;
	_ =	strace s9  }
0x27: {  	s1 =	sld [smem:$0x3FAA]  }
0x28: {  	s2 =	sld [smem:$0x3FAB]  }
0x29: {  	s4 =	sld [smem:$0x3FAD]  }
0x2a: {  	p0 =	seq.s32 s5, $0x0;
	s5 =	sld [smem:$0x3FAE]  }
0x2b: {  	s6 =	sld [smem:$0x3FAF]  }
0x2c: {  	s7 =	sld [smem:$0x3FB0]  }
0x2d: {  	s3 =	simm.s32 $0x108;
	s8 =	sld [smem:$0x3FB1]  }
0x2e: {  	s3 =	simm.s32 @!p0 $0x1082;
	s9 =	sld [smem:$0x3FB2]  }
0x2f: {  	lr =	sadd.s32 s0, s3;
	s0 =	sld [smem:$0x3FA9]  }
0x30: {  	s3 =	sld [smem:$0x3FAC]  }
0x31: {  	[smem:$0x3FB5] =	sst s10  }
0x32: {  	s10 =	sld [smem:$0x3FB3];
	_ =	sdelay $0x3  }
0x33: {  	p0 =	seq.s32 s10, $0x1;
	s10 =	sld [smem:$0x3FB5];
	_ =	sdelay $0x3  }
0x34: {  	[smem:$0x3FB5] =	sst s10  }
0x35: {  	s10 =	sld [smem:$0x3FB4];
	_ =	sdelay $0x3  }
0x36: {  	p1 =	seq.s32 s10, $0x1;
	s10 =	sld [smem:$0x3FB5];
	_ =	sdelay $0x3  }
0x37: {  	[smem:$0x3FB5] =	sst s10  }
0x38: {  	s10 =	sld [smem:$0x3FB6]  }
0x39: {  	_ = 	snop;
	(pc) =	sbr.ind lr, $3  }
0x3a: {  	_ = 	snop  }
0x3b: {  	_ = 	snop  }
0x3c: {  	p2 =	seq.s32 s10, $0x1;
	s10 =	sld [smem:$0x3FB5]  }
0x3d: {  	_ =	shalt  }
0x3e: {  	_ =	shalt  }
0x3f: {  	_ =	shalt  }
0x40: {  	_ =	shalt  }
0x41: {  	_ =	shalt  }
0x42: {  	_ =	shalt  }
0x43: {  	_ =	shalt  }
0x44: {  	_ =	shalt  }
0x45: {  	_ =	shalt  }
0x46: {  	_ =	shalt  }
0x47: {  	_ =	shalt  }
0x48: {  	_ =	shalt  }
0x49: {  	_ =	shalt  }
0x4a: {  	_ =	shalt  }
0x4b: {  	_ =	shalt  }
0x4c: {  	_ =	shalt  }
0x4d: {  	_ =	shalt  }
0x4e: {  	_ =	shalt  }
0x4f: {  	_ =	shalt  }
0x50: {  	_ =	shalt  }
0x51: {  	_ =	shalt  }
0x52: {  	_ =	shalt  }
0x53: {  	_ =	shalt  }
0x54: {  	_ =	shalt  }
0x55: {  	_ =	shalt  }
0x56: {  	_ =	shalt  }
0x57: {  	_ =	shalt  }
0x58: {  	_ =	shalt  }
0x59: {  	_ =	shalt  }
0x5a: {  	_ =	shalt  }
0x5b: {  	_ =	shalt  }
0x5c: {  	_ =	shalt  }
0x5d: {  	_ =	shalt  }
0x5e: {  	_ =	shalt  }
0x5f: {  	_ =	shalt  }
0x60: {  	_ =	shalt  }
0x61: {  	_ =	shalt  }
0x62: {  	_ =	shalt  }
0x63: {  	_ =	shalt  }
0x64: {  	_ =	shalt  }
0x65: {  	_ =	shalt  }
0x66: {  	_ =	shalt  }
0x67: {  	_ =	shalt  }
0x68: {  	_ =	shalt  }
0x69: {  	_ =	shalt  }
0x6a: {  	_ =	shalt  }
0x6b: {  	_ =	shalt  }
0x6c: {  	_ =	shalt  }
0x6d: {  	_ =	shalt  }
0x6e: {  	_ =	shalt  }
0x6f: {  	_ =	shalt  }
0x70: {  	_ =	shalt  }
0x71: {  	_ =	shalt  }
0x72: {  	_ =	shalt  }
0x73: {  	_ =	shalt  }
0x74: {  	_ =	shalt  }
0x75: {  	_ =	shalt  }
0x76: {  	_ =	shalt  }
0x77: {  	_ =	shalt  }
0x78: {  	_ =	shalt  }
0x79: {  	_ =	shalt  }
0x7a: {  	_ =	shalt  }
0x7b: {  	_ =	shalt  }
0x7c: {  	_ =	shalt  }
0x7d: {  	_ =	shalt  }
0x7e: {  	_ =	shalt  }
0x7f: {  	_ =	shalt  }
0x80: {  	_ =	shalt  }
0x81: {  	_ =	shalt  }
0x82: {  	_ =	shalt  }
0x83: {  	_ =	shalt  }
0x84: {  	_ =	shalt  }
0x85: {  	_ =	shalt  }
0x86: {  	_ =	shalt  }
0x87: {  	_ =	shalt  }
.Lfunc_end0:
.L_simem_size_0:
called_computation_lowered:
.L_overlay_start_0:
0x88: {  	s2 =	sld [smem:$0x3FD9]  }
0x89: {  	s3 =	sld [smem:$0x3FFE];
	_ =	sdelay $0x1  }
0x8a: {  	s1 =	srdreg.scid  }
0x8b: {  	s0 =	sand.u32 $0x1, s1  }
0x8c: {  	s14 =	sshll.u32 s0, $0xA;
	s2 =	sadd.s32 s3, s2  }
0x8d: {  	s2 =	sadd.s32 s2, s14  }
0x8e: {  	[smem:$0x3FC1] =	sst s2  }
0x8f: {  	_ = 	snop  }
0x90: {  	s2 =	sld [smem:$0x3FD0];
	_ =	sdelay $0x2  }
0x91: {  	s15 =	simm.s32 $0xA;
	s4 =	simm.s32 $0x10  }
0x92: {  	[smem:s4], [sflag:s15] =	dma.local [hbm:s2], $0x1  }
0x93: {  	_ =	swait.eq [sflag:s15], $0x1  }
0x94: {  	s16 =	sld [smem:$0x11];
	[sflag:s15] =	ssyncset.done $0x0  }
0x95: {  	s17 =	sld [smem:$0x12];
	[sflag:s15] =	ssyncadd.s32 $0xFFFFFFFF  }
0x96: {  	s18 =	sld [smem:$0x13];
	(tm) =	ssettm $0x1  }
0x97: {  	s5 =	sld [smem:$0x3FFB];
	_ =	sdelay $0x3  }
0x98: {  	_ =	strace s5  }
0x99: {  	s5 =	sld [smem:$0x3FFC];
	_ =	sdelay $0x3  }
0x9a: {  	_ =	strace s5  }
0x9b: {  	s5 =	sld [smem:$0x3FFD];
	_ =	sdelay $0x3  }
0x9c: {  	_ =	strace s5  }
0x9d: {  	_ =	strace $0x8FFFFFFF  }
0x9e: {  	s19 =	sld [smem:$0x3FDB];
	_ =	sdelay $0x1  }
0x9f: {  	s6 =	simm.s32 $_scs_section_size  }
0xa0: {  	s7 =	simm.s32 $_size__tile_overlayer_lowered;
	s8 =	simm.s32 $_tile_overlayer_lowered  }
0xa1: {  	s22 =	simm.s32 $0x1BFF;
	s21 =	sshll.u32 s8, $0x1;
	s5 =	sadd.s32 s6, s19  }
0xa2: {  	s9 =	simm.s32 $0x0;
	s20 =	sshll.u32 s7, $0x1;
	s7 =	sadd.s32 s21, s5  }
0xa3: {  	[timem:s9], [sflag:s22] =	dma.local [hbm:s7], s20  }
0xa4: {  	_ =	swait.ge [sflag:s22], s20  }
0xa5: {  	s6 =	ssub.s32 $0x0, s20;
	[sflag:s22] =	ssyncset.done $0x0  }
0xa6: {  	[sflag:s22] =	ssyncadd.s32 s6;
	_ =	sdelay $0x1  }
0xa7: {  	s23 =	simm.s32 $0x1B8B  }
0xa8: {  	_ =	swait.ge [sflag:s23], $0x1  }
0xa9: {  	[sflag:s23] =	ssyncset.done $0x0  }
0xaa: {  	s25 =	simm.s32 $0x1B8E;
	s24 =	sld [smem:$0x3FFE];
	[sflag:s23] =	ssyncadd.s32 $0xFFFFFFFF  }
0xab: {  	s26 =	simm.s32 $execute0_lowered;
	[smem:$0x3FD2] =	sst s25  }
0xac: {  	s7 =	sshll.u32 s26, $0x1;
	_ =	strace $0x80000046;
	[dreg:$0x1] =	wrdreg $0xFFFFFFFF  }
0xad: {  	s28 =	simm.s32 $_size_execute0_lowered;
	s5 =	sadd.s32 s5, s7;
	[dreg:$0x0] =	wrdreg $0x0  }
0xae: {  	s7 =	sshll.u32 s28, $0x1;
	[dreg:$0x2] =	wrdreg s5  }
0xaf: {  	[dreg:$0x3] =	wrdreg s7  }
0xb0: {  	[dreg:$0x4] =	wrdreg $0xC0  }
0xb1: {  	_ =	task [dreg:s9], $0x5FFFF  }
0xb2: {  	[dreg:$0x1] =	wrdreg $0xFFFFFFFF  }
0xb3: {  	[dreg:$0x0] =	wrdreg $0x60  }
0xb4: {  	[dreg:$0x2] =	wrdreg s17  }
0xb5: {  	[dreg:$0x3] =	wrdreg s16  }
0xb6: {  	[dreg:$0x4] =	wrdreg s24  }
0xb7: {  	[dreg:$0x5] =	wrdreg s18  }
0xb8: {  	[dreg:$0x6] =	wrdreg $0x9  }
0xb9: {  	_ =	task.clear_ibuf [dreg:s9], $0x7FFFF;
	_ =	strace $0x90000046  }
0xba: {  	s29 =	simm.s32 $0x9;
	_ =	strace $0x80000048  }
0xbb: {  	_ =	swait.ge [sflag:s29], $0x1  }
0xbc: {  	[sflag:s29] =	ssyncadd.s32 $0xFFFFFFFF  }
0xbd: {  	_ =	strace $0x90000048  }
0xbe: {  	_ =	sfence  }
0xbf: {  	s30 =	sld [smem:$0x0];
	_ =	sdelay $0x2  }
0xc0: {  	s31 =	sshll.u32 s1, $0xD;
	s1 =	sshrl.u32 s1, $0x2  }
0xc1: {  	s3 =	sand.u32 $0x4000, s31;
	s1 =	sadd.s32 s1, s30  }
0xc2: {  	s0 =	sor.u32 s3, s0;
	s1 =	sshll.u32 s1, $0x11  }
0xc3: {  	s0 =	sor.u32 s1, s0  }
0xc4: {  	s0 =	sadd.s32 $0x8F2B, s0  }
0xc5: {  	[sflag:s0] =	ssyncadd.remote.s32 $0x1  }
0xc6: {  	_ =	sfence.sel $0xFFFF  }
0xc7: {  	[dreg:$0x0] =	wrdreg $0xFFFFFFFF;
	(pc) =	sbr.abs _section_cstart, $3  }
0xc8: {  	[dreg:$0x1] =	wrdreg $0xFFFFFFFF  }
0xc9: {  	_ =	task.clear_ibuf [dreg:s9], $0x2FFFF;
	_ =	strace $0x9FFFFFFF  }
0xca: {  	(tm) =	ssettm $0x7FFFFFFF  }
0xcb: {  	_ =	shalt  }
tec
execute0_lowered:
.L_overlay_start_1:
0x0: {  	(tag) =	ssettag $0x1  }
0x1: {  	s0 =	rddreg [dreg:$0x0]  }
0x2: {  	s1 =	rddreg [dreg:$0x1]  }
0x3: {  	s5 =	rddreg [dreg:$0x2];
	s2 =	srdreg.scid  }
0x4: {  	s4 =	stileid.u32;
	s3 =	rddreg [dreg:$0x3]  }
0x5: {  	s31 =	simm.s32 $0x100;
	s30 =	simm.s32 $0x180;
	s29 =	simm.s32 $0x200  }
0x6: {  	s28 =	simm.s32 $0x280;
	s6 =	sand.u32 $0x1, s2;
	s4 =	sshll.u32 s4, $0x1  }
0x7: {  	p0 =	por $0x0, $0x0;
	s2 =	simm.s32 $0x0;
	s4 =	sor.u32 s6, s4  }
0x8: {  	s8 =	sadd.s32 $0x69C00, s5;
	[smem:$0x7FF] =	sst s2;
	s7 =	sshll.u32 s4, $0x7  }
0x9: {  	s11 =	sadd.s32 $0xE9C00, s5;
	_ =	strace $0x80000047;
	s0 =	sadd.s32 s0, s7  }
0xa: {  	s23 =	sshll.u32 s4, $0xD;
	s22 =	sadd.s32 s1, s7;
	[dreg:$0x5] =	wrdreg s0  }
0xb: {  	s16 =	sadd.s32 $0x29C00, s5;
	s24 =	sadd.s32 s8, s23;
	[dreg:$0x6] =	wrdreg s22  }
0xc: {  	s6 =	ssub.s32 $0x2, s6;
	s13 =	sadd.s32 s11, s23;
	[dreg:$0x7] =	wrdreg s24  }
0xd: {  	s25 =	sor.u32 $0x800, s23;
	s18 =	sadd.s32 s16, s23;
	[dreg:$0xb] =	wrdreg s13  }
0xe: {  	s9 =	sor.u32 $0x1000, s23;
	s26 =	sadd.s32 s8, s25;
	[dreg:$0xf] =	wrdreg s18  }
0xf: {  	s10 =	sor.u32 $0x1800, s23;
	s4 =	sadd.s32 s8, s9;
	[dreg:$0x8] =	wrdreg s26  }
0x10: {  	s7 =	simm.s32 $0xC800;
	s12 =	sadd.s32 s8, s10;
	[dreg:$0x9] =	wrdreg s4  }
0x11: {  	s14 =	sadd.s32 s11, s25;
	s15 =	sadd.s32 s11, s9;
	[dreg:$0xa] =	wrdreg s12  }
0x12: {  	s17 =	sadd.s32 s11, s10;
	s19 =	sadd.s32 s16, s25;
	[dreg:$0xc] =	wrdreg s14  }
0x13: {  	s20 =	sadd.s32 s16, s9;
	s21 =	sadd.s32 s16, s10;
	[dreg:$0xd] =	wrdreg s15  }
0x14: {  	s16 =	simm.s32 $0x400;
	s18 =	simm.s32 $0x4800;
	[dreg:$0xe] =	wrdreg s17  }
0x15: {  	s8 =	simm.s32 $0x8800;
	s13 =	simm.s32 $0x600;
	[dreg:$0x10] =	wrdreg s19  }
0x16: {  	s11 =	simm.s32 $0x780;
	s15 =	sadd.s32 $0xF6C000, s5;
	[dreg:$0x11] =	wrdreg s20  }
0x17: {  	s4 =	sadd.s32 $0x2A00, s5;
	s5 =	sadd.s32 $0xA9C00, s5;
	[dreg:$0x12] =	wrdreg s21  }
0x18: {  	s20 =	simm.s32 $0x2;
	s21 =	simm.s32 $0x480;
	s19 =	simm.s32 $0x500  }
0x19: {  	s17 =	simm.s32 $0x580;
	s22 =	sadd.s32 s5, s23;
	s23 =	sshrl.u32 s6, $0x1  }
0x1a: {  	s14 =	simm.s32 $0x680;
	s12 =	simm.s32 $0x700;
	s1 =	ssub.s32 s6, s23  }
0x1b: {  	s0 =	rddreg [dreg:$0x5];
	s24 =	sadd.s32 s5, s25;
	s1 =	smax.u32 s1, $0x1  }
0x1c: {  	s25 =	sadd.s32 s5, s9;
	[dreg:$0x13] =	wrdreg s22;
	p1 =	sne.s32 s1, $0x1  }
.Ltmp0:
0x1d: {  	s26 =	sadd.s32 s5, s10;
	[dreg:$0x14] =	wrdreg s24;
	(pc) =	sbr.rel @!p1 .LBB2_3-.Ltmp0, $4  }
0x1e: {  	s5 =	simm.s32 $0x5;
	s10 =	simm.s32 $0x3;
	[dreg:$0x15] =	wrdreg s25  }
0x1f: {  	s9 =	simm.s32 $0x4;
	[dreg:$0x16] =	wrdreg s26;
	s6 =	simm.s32 $0x80  }
0x20: {  	s22 =	simm.s32 $0x800;
	s24 =	simm.s32 $0x1;
	s23 =	simm.s32 $0x6  }
0x21: {  	s26 =	simm.s32 $0x300;
	s25 =	simm.s32 $0x380;
	s1 =	sadd.s32 $0xFFFFFFFF, s1  }
0x22: {  	[tilespmem:s2], [sflag:$0x5] =	stream.linear.gather [hbm4b:s0+s2], $0x400, $0x38;
	[tilespmem:$0x10800] =	vst v63  }
0x23: {  	_ =	swait.ge [sflag:s5], $0x400  }
0x24: {  	[sflag:s5] =	ssyncset.done $0x0  }
0x25: {  	s0 =	rddreg [dreg:$0x6];
	[sflag:s5] =	ssyncadd.s32 $0xFFFFFC00  }
0x26: {  	[tilespmem:s16], [sflag:$0x5] =	stream.linear.gather [hbm4b:s0+s2], $0x400, $0x38;
	[tilespmem:$0x10800] =	vst v63  }
0x27: {  	_ =	swait.ge [sflag:s5], $0x400  }
0x28: {  	[sflag:s5] =	ssyncset.done $0x0  }
0x29: {  	[sflag:s5] =	ssyncadd.s32 $0xFFFFFC00  }
0x2a: {  	[tilespmem:s22], [sflag:$0x1] =	stream.indirect.gather [hbm4b:s15+s6], $0x80, s2, s6, $0xb8;
	[tilespmem:$0x10800] =	vst v63  }
0x2b: {  	_ = 	snop  }
0x2c: {  	[tilespmem:s18], [sflag:$0x2] =	stream.indirect.gather [hbm4b:s15+s6], $0x80, s6, s6, $0xb8;
	[tilespmem:$0x10800] =	vst v63  }
0x2d: {  	_ =	swait.ge [sflag:s24], $0x4000  }
0x2e: {  	[sflag:s24] =	ssyncset.done $0x0  }
0x2f: {  	s0 =	rddreg [dreg:$0xf];
	[sflag:s24] =	ssyncadd.s32 $0xFFFFC000  }
0x30: {  	[hbm4b:s0+s2] =	stream.linear.scatter [tilespmem:s22], [sflag:$0x6], $0x4000, $0x38;
	[tilespmem:$0x10800] =	vst v63  }
0x31: {  	_ =	swait.ge [sflag:s23], $0x4000  }
0x32: {  	[sflag:s23] =	ssyncset.done $0x0  }
0x33: {  	[sflag:s23] =	ssyncadd.s32 $0xFFFFC000  }
0x34: {  	[tilespmem:s22], [sflag:$0x1] =	stream.indirect.gather [hbm4b:s15+s6], $0x80, s31, s6, $0xb8;
	[tilespmem:$0x10800] =	vst v63  }
0x35: {  	_ =	swait.ge [sflag:s20], $0x4000  }
0x36: {  	[sflag:s20] =	ssyncset.done $0x0  }
0x37: {  	s0 =	rddreg [dreg:$0x10];
	[sflag:s20] =	ssyncadd.s32 $0xFFFFC000  }
0x38: {  	[hbm4b:s0+s2] =	stream.linear.scatter [tilespmem:s18], [sflag:$0x6], $0x4000, $0x38;
	[tilespmem:$0x10800] =	vst v63  }
0x39: {  	_ =	swait.ge [sflag:s23], $0x4000  }
0x3a: {  	[sflag:s23] =	ssyncset.done $0x0  }
0x3b: {  	[sflag:s23] =	ssyncadd.s32 $0xFFFFC000  }
0x3c: {  	[tilespmem:s18], [sflag:$0x2] =	stream.indirect.gather [hbm4b:s15+s6], $0x80, s30, s6, $0xb8;
	[tilespmem:$0x10800] =	vst v63  }
0x3d: {  	_ =	swait.ge [sflag:s24], $0x4000  }
0x3e: {  	[sflag:s24] =	ssyncset.done $0x0  }
0x3f: {  	s0 =	rddreg [dreg:$0x11];
	[sflag:s24] =	ssyncadd.s32 $0xFFFFC000  }
0x40: {  	[hbm4b:s0+s2] =	stream.linear.scatter [tilespmem:s22], [sflag:$0x6], $0x4000, $0x38;
	[tilespmem:$0x10800] =	vst v63  }
0x41: {  	_ =	swait.ge [sflag:s23], $0x4000  }
0x42: {  	[sflag:s23] =	ssyncset.done $0x0  }
0x43: {  	[sflag:s23] =	ssyncadd.s32 $0xFFFFC000  }
0x44: {  	[tilespmem:s22], [sflag:$0x1] =	stream.indirect.gather [hbm4b:s15+s6], $0x80, s29, s6, $0xb8;
	[tilespmem:$0x10800] =	vst v63  }
0x45: {  	_ =	swait.ge [sflag:s20], $0x4000  }
0x46: {  	[sflag:s20] =	ssyncset.done $0x0  }
0x47: {  	s0 =	rddreg [dreg:$0x12];
	[sflag:s20] =	ssyncadd.s32 $0xFFFFC000  }
0x48: {  	[hbm4b:s0+s2] =	stream.linear.scatter [tilespmem:s18], [sflag:$0x6], $0x4000, $0x38;
	[tilespmem:$0x10800] =	vst v63  }
0x49: {  	_ =	swait.ge [sflag:s23], $0x4000  }
0x4a: {  	[sflag:s23] =	ssyncset.done $0x0  }
0x4b: {  	[sflag:s23] =	ssyncadd.s32 $0xFFFFC000  }
0x4c: {  	[tilespmem:s18], [sflag:$0x2] =	stream.indirect.gather [hbm4b:s15+s6], $0x80, s28, s6, $0xb8;
	[tilespmem:$0x10800] =	vst v63  }
0x4d: {  	_ =	swait.ge [sflag:s24], $0x4000  }
0x4e: {  	[sflag:s24] =	ssyncset.done $0x0  }
0x4f: {  	s0 =	rddreg [dreg:$0x13];
	[sflag:s24] =	ssyncadd.s32 $0xFFFFC000  }
0x50: {  	[hbm4b:s0+s2] =	stream.linear.scatter [tilespmem:s22], [sflag:$0x6], $0x4000, $0x38;
	[tilespmem:$0x10800] =	vst v63  }
0x51: {  	_ =	swait.ge [sflag:s23], $0x4000  }
0x52: {  	[sflag:s23] =	ssyncset.done $0x0  }
0x53: {  	[sflag:s23] =	ssyncadd.s32 $0xFFFFC000  }
0x54: {  	[tilespmem:s22], [sflag:$0x1] =	stream.indirect.gather [hbm4b:s15+s6], $0x80, s26, s6, $0xb8;
	[tilespmem:$0x10800] =	vst v63  }
0x55: {  	_ =	swait.ge [sflag:s20], $0x4000  }
0x56: {  	[sflag:s20] =	ssyncset.done $0x0  }
0x57: {  	s0 =	rddreg [dreg:$0x14];
	[sflag:s20] =	ssyncadd.s32 $0xFFFFC000  }
0x58: {  	[hbm4b:s0+s2] =	stream.linear.scatter [tilespmem:s18], [sflag:$0x5], $0x4000, $0x38;
	[tilespmem:$0x10800] =	vst v63  }
0x59: {  	_ =	swait.ge [sflag:s5], $0x4000  }
0x5a: {  	[sflag:s5] =	ssyncset.done $0x0  }
0x5b: {  	[sflag:s5] =	ssyncadd.s32 $0xFFFFC000  }
0x5c: {  	[tilespmem:s18], [sflag:$0x2] =	stream.indirect.gather [hbm4b:s15+s6], $0x80, s25, s6, $0xb8;
	[tilespmem:$0x10800] =	vst v63  }
0x5d: {  	_ =	swait.ge [sflag:s24], $0x4000  }
0x5e: {  	[sflag:s24] =	ssyncset.done $0x0  }
0x5f: {  	s0 =	rddreg [dreg:$0x15];
	[sflag:s24] =	ssyncadd.s32 $0xFFFFC000  }
0x60: {  	[hbm4b:s0+s2] =	stream.linear.scatter [tilespmem:s22], [sflag:$0x6], $0x4000, $0x38;
	[tilespmem:$0x10800] =	vst v63  }
0x61: {  	_ =	swait.ge [sflag:s23], $0x4000  }
0x62: {  	[sflag:s23] =	ssyncset.done $0x0  }
0x63: {  	[sflag:s23] =	ssyncadd.s32 $0xFFFFC000  }
0x64: {  	_ =	swait.ge [sflag:s20], $0x4000  }
0x65: {  	[sflag:s20] =	ssyncset.done $0x0  }
0x66: {  	s0 =	rddreg [dreg:$0x16];
	[sflag:s20] =	ssyncadd.s32 $0xFFFFC000  }
0x67: {  	[hbm4b:s0+s2] =	stream.linear.scatter [tilespmem:s18], [sflag:$0x5], $0x4000, $0x38;
	[tilespmem:$0x10800] =	vst v63  }
0x68: {  	_ =	swait.ge [sflag:s5], $0x4000  }
0x69: {  	[sflag:s5] =	ssyncset.done $0x0  }
0x6a: {  	[sflag:s5] =	ssyncadd.s32 $0xFFFFC000  }
0x6b: {  	[tilespmem:s8], [sflag:$0x3] =	stream.indirect.gather [hbm4b:s3+s6], $0x80, s16, s6, $0xb8;
	[tilespmem:$0x10800] =	vst v63  }
0x6c: {  	_ = 	snop  }
0x6d: {  	[tilespmem:s7], [sflag:$0x4] =	stream.indirect.gather [hbm4b:s3+s6], $0x80, s21, s6, $0xb8;
	[tilespmem:$0x10800] =	vst v63  }
0x6e: {  	_ =	swait.ge [sflag:s10], $0x4000  }
0x6f: {  	[sflag:s10] =	ssyncset.done $0x0  }
0x70: {  	s0 =	rddreg [dreg:$0x7];
	[sflag:s10] =	ssyncadd.s32 $0xFFFFC000  }
0x71: {  	[hbm4b:s0+s2] =	stream.linear.scatter [tilespmem:s8], [sflag:$0x5], $0x4000, $0x38;
	[tilespmem:$0x10800] =	vst v63  }
0x72: {  	_ =	swait.ge [sflag:s5], $0x4000  }
0x73: {  	[sflag:s5] =	ssyncset.done $0x0  }
0x74: {  	[sflag:s5] =	ssyncadd.s32 $0xFFFFC000  }
0x75: {  	[tilespmem:s8], [sflag:$0x3] =	stream.indirect.gather [hbm4b:s3+s6], $0x80, s19, s6, $0xb8;
	[tilespmem:$0x10800] =	vst v63  }
0x76: {  	_ =	swait.ge [sflag:s9], $0x4000  }
0x77: {  	[sflag:s9] =	ssyncset.done $0x0  }
0x78: {  	s0 =	rddreg [dreg:$0x8];
	[sflag:s9] =	ssyncadd.s32 $0xFFFFC000  }
0x79: {  	[hbm4b:s0+s2] =	stream.linear.scatter [tilespmem:s7], [sflag:$0x5], $0x4000, $0x38;
	[tilespmem:$0x10800] =	vst v63  }
0x7a: {  	_ =	swait.ge [sflag:s5], $0x4000  }
0x7b: {  	[sflag:s5] =	ssyncset.done $0x0  }
0x7c: {  	[sflag:s5] =	ssyncadd.s32 $0xFFFFC000  }
0x7d: {  	[tilespmem:s7], [sflag:$0x4] =	stream.indirect.gather [hbm4b:s3+s6], $0x80, s17, s6, $0xb8;
	[tilespmem:$0x10800] =	vst v63  }
0x7e: {  	_ =	swait.ge [sflag:s10], $0x4000  }
0x7f: {  	[sflag:s10] =	ssyncset.done $0x0  }
0x80: {  	s0 =	rddreg [dreg:$0x9];
	[sflag:s10] =	ssyncadd.s32 $0xFFFFC000  }
0x81: {  	[hbm4b:s0+s2] =	stream.linear.scatter [tilespmem:s8], [sflag:$0x5], $0x4000, $0x38;
	[tilespmem:$0x10800] =	vst v63  }
0x82: {  	_ =	swait.ge [sflag:s5], $0x4000  }
0x83: {  	[sflag:s5] =	ssyncset.done $0x0  }
0x84: {  	[sflag:s5] =	ssyncadd.s32 $0xFFFFC000  }
0x85: {  	_ =	swait.ge [sflag:s9], $0x4000  }
0x86: {  	[sflag:s9] =	ssyncset.done $0x0  }
0x87: {  	s0 =	rddreg [dreg:$0xa];
	[sflag:s9] =	ssyncadd.s32 $0xFFFFC000  }
0x88: {  	[hbm4b:s0+s2] =	stream.linear.scatter [tilespmem:s7], [sflag:$0x5], $0x4000, $0x38;
	[tilespmem:$0x10800] =	vst v63  }
0x89: {  	_ =	swait.ge [sflag:s5], $0x4000  }
0x8a: {  	[sflag:s5] =	ssyncset.done $0x0  }
0x8b: {  	[sflag:s5] =	ssyncadd.s32 $0xFFFFC000  }
0x8c: {  	[tilespmem:s8], [sflag:$0x3] =	stream.indirect.gather [hbm4b:s4+s6], $0x80, s13, s6, $0xb8;
	[tilespmem:$0x10800] =	vst v63  }
0x8d: {  	_ = 	snop  }
0x8e: {  	[tilespmem:s7], [sflag:$0x4] =	stream.indirect.gather [hbm4b:s4+s6], $0x80, s14, s6, $0xb8;
	[tilespmem:$0x10800] =	vst v63  }
0x8f: {  	_ =	swait.ge [sflag:s10], $0x4000  }
0x90: {  	[sflag:s10] =	ssyncset.done $0x0  }
0x91: {  	s0 =	rddreg [dreg:$0xb];
	[sflag:s10] =	ssyncadd.s32 $0xFFFFC000  }
0x92: {  	[hbm4b:s0+s2] =	stream.linear.scatter [tilespmem:s8], [sflag:$0x5], $0x4000, $0x38;
	[tilespmem:$0x10800] =	vst v63  }
0x93: {  	_ =	swait.ge [sflag:s5], $0x4000  }
0x94: {  	[sflag:s5] =	ssyncset.done $0x0  }
0x95: {  	[sflag:s5] =	ssyncadd.s32 $0xFFFFC000  }
0x96: {  	[tilespmem:s8], [sflag:$0x3] =	stream.indirect.gather [hbm4b:s4+s6], $0x80, s12, s6, $0xb8;
	[tilespmem:$0x10800] =	vst v63  }
0x97: {  	_ =	swait.ge [sflag:s9], $0x4000  }
0x98: {  	[sflag:s9] =	ssyncset.done $0x0  }
0x99: {  	s0 =	rddreg [dreg:$0xc];
	[sflag:s9] =	ssyncadd.s32 $0xFFFFC000  }
0x9a: {  	[hbm4b:s0+s2] =	stream.linear.scatter [tilespmem:s7], [sflag:$0x5], $0x4000, $0x38;
	[tilespmem:$0x10800] =	vst v63  }
0x9b: {  	_ =	swait.ge [sflag:s5], $0x4000  }
0x9c: {  	[sflag:s5] =	ssyncset.done $0x0  }
0x9d: {  	[sflag:s5] =	ssyncadd.s32 $0xFFFFC000  }
0x9e: {  	[tilespmem:s7], [sflag:$0x4] =	stream.indirect.gather [hbm4b:s4+s6], $0x80, s11, s6, $0xb8;
	[tilespmem:$0x10800] =	vst v63  }
0x9f: {  	_ =	swait.ge [sflag:s10], $0x4000  }
0xa0: {  	[sflag:s10] =	ssyncset.done $0x0  }
0xa1: {  	s0 =	rddreg [dreg:$0xd];
	[sflag:s10] =	ssyncadd.s32 $0xFFFFC000  }
0xa2: {  	[hbm4b:s0+s2] =	stream.linear.scatter [tilespmem:s8], [sflag:$0x5], $0x4000, $0x38;
	[tilespmem:$0x10800] =	vst v63  }
0xa3: {  	_ =	swait.ge [sflag:s5], $0x4000  }
0xa4: {  	[sflag:s5] =	ssyncset.done $0x0  }
0xa5: {  	[sflag:s5] =	ssyncadd.s32 $0xFFFFC000  }
0xa6: {  	p1 =	sne.s32 s1, $0x1;
	_ =	swait.ge [sflag:s9], $0x4000  }
.Ltmp1:
0xa7: {  	[sflag:s9] =	ssyncset.done $0x0;
	(pc) =	sbr.rel @!p1 .LBB2_3-.Ltmp1, $4  }
0xa8: {  	s0 =	rddreg [dreg:$0xe];
	[sflag:s9] =	ssyncadd.s32 $0xFFFFC000  }
0xa9: {  	[hbm4b:s0+s2] =	stream.linear.scatter [tilespmem:s7], [sflag:$0x5], $0x4000, $0x38;
	[tilespmem:$0x10800] =	vst v63  }
0xaa: {  	s1 =	sadd.s32 $0xFFFFFFFF, s1;
	_ =	swait.ge [sflag:s5], $0x4000  }
0xab: {  	p0 =	por $0x1, $0x1;
	s0 =	rddreg [dreg:$0x5];
	[sflag:s5] =	ssyncset.done $0x0  }
.LBB2_2:
0xac: {  	[sflag:s5] =	ssyncadd.s32 $0xFFFFC000  }
0xad: {  	[tilespmem:s2], [sflag:$0x5] =	stream.linear.gather [hbm4b:s0+s2], $0x400, $0x38;
	[tilespmem:$0x10800] =	vst v63  }
0xae: {  	_ =	swait.ge [sflag:s5], $0x400  }
0xaf: {  	[sflag:s5] =	ssyncset.done $0x0  }
0xb0: {  	s0 =	rddreg [dreg:$0x6];
	[sflag:s5] =	ssyncadd.s32 $0xFFFFFC00  }
0xb1: {  	[tilespmem:s16], [sflag:$0x5] =	stream.linear.gather [hbm4b:s0+s2], $0x400, $0x38;
	[tilespmem:$0x10800] =	vst v63  }
0xb2: {  	_ =	swait.ge [sflag:s5], $0x400  }
0xb3: {  	[sflag:s5] =	ssyncset.done $0x0  }
0xb4: {  	[sflag:s5] =	ssyncadd.s32 $0xFFFFFC00  }
0xb5: {  	[tilespmem:s22], [sflag:$0x1] =	stream.indirect.gather [hbm4b:s15+s6], $0x80, s2, s6, $0xb8;
	[tilespmem:$0x10800] =	vst v63  }
0xb6: {  	_ = 	snop  }
0xb7: {  	[tilespmem:s18], [sflag:$0x2] =	stream.indirect.gather [hbm4b:s15+s6], $0x80, s6, s6, $0xb8;
	[tilespmem:$0x10800] =	vst v63  }
0xb8: {  	_ =	swait.ge [sflag:s24], $0x4000  }
0xb9: {  	[sflag:s24] =	ssyncset.done $0x0  }
0xba: {  	s0 =	rddreg [dreg:$0xf];
	[sflag:s24] =	ssyncadd.s32 $0xFFFFC000  }
0xbb: {  	[hbm4b:s0+s2] =	stream.linear.scatter [tilespmem:s22], [sflag:$0x6], $0x4000, $0x38;
	[tilespmem:$0x10800] =	vst v63  }
0xbc: {  	_ =	swait.ge [sflag:s23], $0x4000  }
0xbd: {  	[sflag:s23] =	ssyncset.done $0x0  }
0xbe: {  	[sflag:s23] =	ssyncadd.s32 $0xFFFFC000  }
0xbf: {  	[tilespmem:s22], [sflag:$0x1] =	stream.indirect.gather [hbm4b:s15+s6], $0x80, s31, s6, $0xb8;
	[tilespmem:$0x10800] =	vst v63  }
0xc0: {  	_ =	swait.ge [sflag:s20], $0x4000  }
0xc1: {  	[sflag:s20] =	ssyncset.done $0x0  }
0xc2: {  	s0 =	rddreg [dreg:$0x10];
	[sflag:s20] =	ssyncadd.s32 $0xFFFFC000  }
0xc3: {  	[hbm4b:s0+s2] =	stream.linear.scatter [tilespmem:s18], [sflag:$0x6], $0x4000, $0x38;
	[tilespmem:$0x10800] =	vst v63  }
0xc4: {  	_ =	swait.ge [sflag:s23], $0x4000  }
0xc5: {  	[sflag:s23] =	ssyncset.done $0x0  }
0xc6: {  	[sflag:s23] =	ssyncadd.s32 $0xFFFFC000  }
0xc7: {  	[tilespmem:s18], [sflag:$0x2] =	stream.indirect.gather [hbm4b:s15+s6], $0x80, s30, s6, $0xb8;
	[tilespmem:$0x10800] =	vst v63  }
0xc8: {  	_ =	swait.ge [sflag:s24], $0x4000  }
0xc9: {  	[sflag:s24] =	ssyncset.done $0x0  }
0xca: {  	s0 =	rddreg [dreg:$0x11];
	[sflag:s24] =	ssyncadd.s32 $0xFFFFC000  }
0xcb: {  	[hbm4b:s0+s2] =	stream.linear.scatter [tilespmem:s22], [sflag:$0x6], $0x4000, $0x38;
	[tilespmem:$0x10800] =	vst v63  }
0xcc: {  	_ =	swait.ge [sflag:s23], $0x4000  }
0xcd: {  	[sflag:s23] =	ssyncset.done $0x0  }
0xce: {  	[sflag:s23] =	ssyncadd.s32 $0xFFFFC000  }
0xcf: {  	[tilespmem:s22], [sflag:$0x1] =	stream.indirect.gather [hbm4b:s15+s6], $0x80, s29, s6, $0xb8;
	[tilespmem:$0x10800] =	vst v63  }
0xd0: {  	_ =	swait.ge [sflag:s20], $0x4000  }
0xd1: {  	[sflag:s20] =	ssyncset.done $0x0  }
0xd2: {  	s0 =	rddreg [dreg:$0x12];
	[sflag:s20] =	ssyncadd.s32 $0xFFFFC000  }
0xd3: {  	[hbm4b:s0+s2] =	stream.linear.scatter [tilespmem:s18], [sflag:$0x6], $0x4000, $0x38;
	[tilespmem:$0x10800] =	vst v63  }
0xd4: {  	_ =	swait.ge [sflag:s23], $0x4000  }
0xd5: {  	[sflag:s23] =	ssyncset.done $0x0  }
0xd6: {  	[sflag:s23] =	ssyncadd.s32 $0xFFFFC000  }
0xd7: {  	[tilespmem:s18], [sflag:$0x2] =	stream.indirect.gather [hbm4b:s15+s6], $0x80, s28, s6, $0xb8;
	[tilespmem:$0x10800] =	vst v63  }
0xd8: {  	_ =	swait.ge [sflag:s24], $0x4000  }
0xd9: {  	[sflag:s24] =	ssyncset.done $0x0  }
0xda: {  	s0 =	rddreg [dreg:$0x13];
	[sflag:s24] =	ssyncadd.s32 $0xFFFFC000  }
0xdb: {  	[hbm4b:s0+s2] =	stream.linear.scatter [tilespmem:s22], [sflag:$0x6], $0x4000, $0x38;
	[tilespmem:$0x10800] =	vst v63  }
0xdc: {  	_ =	swait.ge [sflag:s23], $0x4000  }
0xdd: {  	[sflag:s23] =	ssyncset.done $0x0  }
0xde: {  	[sflag:s23] =	ssyncadd.s32 $0xFFFFC000  }
0xdf: {  	[tilespmem:s22], [sflag:$0x1] =	stream.indirect.gather [hbm4b:s15+s6], $0x80, s26, s6, $0xb8;
	[tilespmem:$0x10800] =	vst v63  }
0xe0: {  	_ =	swait.ge [sflag:s20], $0x4000  }
0xe1: {  	[sflag:s20] =	ssyncset.done $0x0  }
0xe2: {  	s0 =	rddreg [dreg:$0x14];
	[sflag:s20] =	ssyncadd.s32 $0xFFFFC000  }
0xe3: {  	[hbm4b:s0+s2] =	stream.linear.scatter [tilespmem:s18], [sflag:$0x5], $0x4000, $0x38;
	[tilespmem:$0x10800] =	vst v63  }
0xe4: {  	_ =	swait.ge [sflag:s5], $0x4000  }
0xe5: {  	[sflag:s5] =	ssyncset.done $0x0  }
0xe6: {  	[sflag:s5] =	ssyncadd.s32 $0xFFFFC000  }
0xe7: {  	[tilespmem:s18], [sflag:$0x2] =	stream.indirect.gather [hbm4b:s15+s6], $0x80, s25, s6, $0xb8;
	[tilespmem:$0x10800] =	vst v63  }
0xe8: {  	_ =	swait.ge [sflag:s24], $0x4000  }
0xe9: {  	[sflag:s24] =	ssyncset.done $0x0  }
0xea: {  	s0 =	rddreg [dreg:$0x15];
	[sflag:s24] =	ssyncadd.s32 $0xFFFFC000  }
0xeb: {  	[hbm4b:s0+s2] =	stream.linear.scatter [tilespmem:s22], [sflag:$0x6], $0x4000, $0x38;
	[tilespmem:$0x10800] =	vst v63  }
0xec: {  	_ =	swait.ge [sflag:s23], $0x4000  }
0xed: {  	[sflag:s23] =	ssyncset.done $0x0  }
0xee: {  	[sflag:s23] =	ssyncadd.s32 $0xFFFFC000  }
0xef: {  	_ =	swait.ge [sflag:s20], $0x4000  }
0xf0: {  	[sflag:s20] =	ssyncset.done $0x0  }
0xf1: {  	s0 =	rddreg [dreg:$0x16];
	[sflag:s20] =	ssyncadd.s32 $0xFFFFC000  }
0xf2: {  	[hbm4b:s0+s2] =	stream.linear.scatter [tilespmem:s18], [sflag:$0x5], $0x4000, $0x38;
	[tilespmem:$0x10800] =	vst v63  }
0xf3: {  	_ =	swait.ge [sflag:s5], $0x4000  }
0xf4: {  	[sflag:s5] =	ssyncset.done $0x0  }
0xf5: {  	[sflag:s5] =	ssyncadd.s32 $0xFFFFC000  }
0xf6: {  	[tilespmem:s8], [sflag:$0x3] =	stream.indirect.gather [hbm4b:s3+s6], $0x80, s16, s6, $0xb8;
	[tilespmem:$0x10800] =	vst v63  }
0xf7: {  	_ = 	snop  }
0xf8: {  	[tilespmem:s7], [sflag:$0x4] =	stream.indirect.gather [hbm4b:s3+s6], $0x80, s21, s6, $0xb8;
	[tilespmem:$0x10800] =	vst v63  }
0xf9: {  	_ =	swait.ge [sflag:s10], $0x4000  }
0xfa: {  	[sflag:s10] =	ssyncset.done $0x0  }
0xfb: {  	s0 =	rddreg [dreg:$0x7];
	[sflag:s10] =	ssyncadd.s32 $0xFFFFC000  }
0xfc: {  	[hbm4b:s0+s2] =	stream.linear.scatter [tilespmem:s8], [sflag:$0x5], $0x4000, $0x38;
	[tilespmem:$0x10800] =	vst v63  }
0xfd: {  	_ =	swait.ge [sflag:s5], $0x4000  }
0xfe: {  	[sflag:s5] =	ssyncset.done $0x0  }
0xff: {  	[sflag:s5] =	ssyncadd.s32 $0xFFFFC000  }
0x100: {  	[tilespmem:s8], [sflag:$0x3] =	stream.indirect.gather [hbm4b:s3+s6], $0x80, s19, s6, $0xb8;
	[tilespmem:$0x10800] =	vst v63  }
0x101: {  	_ =	swait.ge [sflag:s9], $0x4000  }
0x102: {  	[sflag:s9] =	ssyncset.done $0x0  }
0x103: {  	s0 =	rddreg [dreg:$0x8];
	[sflag:s9] =	ssyncadd.s32 $0xFFFFC000  }
0x104: {  	[hbm4b:s0+s2] =	stream.linear.scatter [tilespmem:s7], [sflag:$0x5], $0x4000, $0x38;
	[tilespmem:$0x10800] =	vst v63  }
0x105: {  	_ =	swait.ge [sflag:s5], $0x4000  }
0x106: {  	[sflag:s5] =	ssyncset.done $0x0  }
0x107: {  	[sflag:s5] =	ssyncadd.s32 $0xFFFFC000  }
0x108: {  	[tilespmem:s7], [sflag:$0x4] =	stream.indirect.gather [hbm4b:s3+s6], $0x80, s17, s6, $0xb8;
	[tilespmem:$0x10800] =	vst v63  }
0x109: {  	_ =	swait.ge [sflag:s10], $0x4000  }
0x10a: {  	[sflag:s10] =	ssyncset.done $0x0  }
0x10b: {  	s0 =	rddreg [dreg:$0x9];
	[sflag:s10] =	ssyncadd.s32 $0xFFFFC000  }
0x10c: {  	[hbm4b:s0+s2] =	stream.linear.scatter [tilespmem:s8], [sflag:$0x5], $0x4000, $0x38;
	[tilespmem:$0x10800] =	vst v63  }
0x10d: {  	_ =	swait.ge [sflag:s5], $0x4000  }
0x10e: {  	[sflag:s5] =	ssyncset.done $0x0  }
0x10f: {  	[sflag:s5] =	ssyncadd.s32 $0xFFFFC000  }
0x110: {  	_ =	swait.ge [sflag:s9], $0x4000  }
0x111: {  	[sflag:s9] =	ssyncset.done $0x0  }
0x112: {  	s0 =	rddreg [dreg:$0xa];
	[sflag:s9] =	ssyncadd.s32 $0xFFFFC000  }
0x113: {  	[hbm4b:s0+s2] =	stream.linear.scatter [tilespmem:s7], [sflag:$0x5], $0x4000, $0x38;
	[tilespmem:$0x10800] =	vst v63  }
0x114: {  	_ =	swait.ge [sflag:s5], $0x4000  }
0x115: {  	[sflag:s5] =	ssyncset.done $0x0  }
0x116: {  	[sflag:s5] =	ssyncadd.s32 $0xFFFFC000  }
0x117: {  	[tilespmem:s8], [sflag:$0x3] =	stream.indirect.gather [hbm4b:s4+s6], $0x80, s13, s6, $0xb8;
	[tilespmem:$0x10800] =	vst v63  }
0x118: {  	_ = 	snop  }
0x119: {  	[tilespmem:s7], [sflag:$0x4] =	stream.indirect.gather [hbm4b:s4+s6], $0x80, s14, s6, $0xb8;
	[tilespmem:$0x10800] =	vst v63  }
0x11a: {  	_ =	swait.ge [sflag:s10], $0x4000  }
0x11b: {  	[sflag:s10] =	ssyncset.done $0x0  }
0x11c: {  	s0 =	rddreg [dreg:$0xb];
	[sflag:s10] =	ssyncadd.s32 $0xFFFFC000  }
0x11d: {  	[hbm4b:s0+s2] =	stream.linear.scatter [tilespmem:s8], [sflag:$0x5], $0x4000, $0x38;
	[tilespmem:$0x10800] =	vst v63  }
0x11e: {  	_ =	swait.ge [sflag:s5], $0x4000  }
0x11f: {  	[sflag:s5] =	ssyncset.done $0x0  }
0x120: {  	[sflag:s5] =	ssyncadd.s32 $0xFFFFC000  }
0x121: {  	[tilespmem:s8], [sflag:$0x3] =	stream.indirect.gather [hbm4b:s4+s6], $0x80, s12, s6, $0xb8;
	[tilespmem:$0x10800] =	vst v63  }
0x122: {  	_ =	swait.ge [sflag:s9], $0x4000  }
0x123: {  	[sflag:s9] =	ssyncset.done $0x0  }
0x124: {  	s0 =	rddreg [dreg:$0xc];
	[sflag:s9] =	ssyncadd.s32 $0xFFFFC000  }
0x125: {  	[hbm4b:s0+s2] =	stream.linear.scatter [tilespmem:s7], [sflag:$0x5], $0x4000, $0x38;
	[tilespmem:$0x10800] =	vst v63  }
0x126: {  	_ =	swait.ge [sflag:s5], $0x4000  }
0x127: {  	[sflag:s5] =	ssyncset.done $0x0  }
0x128: {  	[sflag:s5] =	ssyncadd.s32 $0xFFFFC000  }
0x129: {  	[tilespmem:s7], [sflag:$0x4] =	stream.indirect.gather [hbm4b:s4+s6], $0x80, s11, s6, $0xb8;
	[tilespmem:$0x10800] =	vst v63  }
0x12a: {  	_ =	swait.ge [sflag:s10], $0x4000  }
0x12b: {  	[sflag:s10] =	ssyncset.done $0x0  }
0x12c: {  	s0 =	rddreg [dreg:$0xd];
	[sflag:s10] =	ssyncadd.s32 $0xFFFFC000  }
0x12d: {  	[hbm4b:s0+s2] =	stream.linear.scatter [tilespmem:s8], [sflag:$0x5], $0x4000, $0x38;
	[tilespmem:$0x10800] =	vst v63  }
0x12e: {  	_ =	swait.ge [sflag:s5], $0x4000  }
0x12f: {  	[sflag:s5] =	ssyncset.done $0x0  }
0x130: {  	[sflag:s5] =	ssyncadd.s32 $0xFFFFC000  }
0x131: {  	p1 =	sne.s32 s1, $0x1;
	_ =	swait.ge [sflag:s9], $0x4000  }
.Ltmp2:
0x132: {  	[sflag:s9] =	ssyncset.done $0x0;
	(pc) =	sbr.rel @p1 .LBB2_2-.Ltmp2, $4  }
0x133: {  	s0 =	rddreg [dreg:$0xe];
	[sflag:s9] =	ssyncadd.s32 $0xFFFFC000  }
0x134: {  	[hbm4b:s0+s2] =	stream.linear.scatter [tilespmem:s7], [sflag:$0x5], $0x4000, $0x38;
	[tilespmem:$0x10800] =	vst v63  }
0x135: {  	_ =	swait.ge [sflag:s5], $0x4000  }
0x136: {  	s1 =	sadd.s32 $0xFFFFFFFF, s1;
	s0 =	rddreg [dreg:$0x5];
	[sflag:s5] =	ssyncset.done $0x0  }
.LBB2_3:
0x137: {  	[sflag:s5] =	ssyncadd.s32 @p0 $0xFFFFC000  }
0x138: {  	[tilespmem:s2], [sflag:$0x5] =	stream.linear.gather [hbm4b:s0+s2], $0x400, $0x38;
	[tilespmem:$0x10800] =	vst v63  }
0x139: {  	_ =	swait.ge [sflag:s5], $0x400  }
0x13a: {  	[sflag:s5] =	ssyncset.done $0x0  }
0x13b: {  	s1 =	rddreg [dreg:$0x6];
	[sflag:s5] =	ssyncadd.s32 $0xFFFFFC00  }
0x13c: {  	[tilespmem:s16], [sflag:$0x5] =	stream.linear.gather [hbm4b:s1+s2], $0x400, $0x38;
	[tilespmem:$0x10800] =	vst v63  }
0x13d: {  	_ =	swait.ge [sflag:s5], $0x400  }
0x13e: {  	[sflag:s5] =	ssyncset.done $0x0  }
0x13f: {  	[sflag:s5] =	ssyncadd.s32 $0xFFFFFC00  }
0x140: {  	[tilespmem:s22], [sflag:$0x1] =	stream.indirect.gather [hbm4b:s15+s6], $0x80, s2, s6, $0xb8;
	[tilespmem:$0x10800] =	vst v63  }
0x141: {  	_ = 	snop  }
0x142: {  	[tilespmem:s18], [sflag:$0x2] =	stream.indirect.gather [hbm4b:s15+s6], $0x80, s6, s6, $0xb8;
	[tilespmem:$0x10800] =	vst v63  }
0x143: {  	_ =	swait.ge [sflag:s24], $0x4000  }
0x144: {  	[sflag:s24] =	ssyncset.done $0x0  }
0x145: {  	s1 =	rddreg [dreg:$0xf];
	[sflag:s24] =	ssyncadd.s32 $0xFFFFC000  }
0x146: {  	[hbm4b:s1+s2] =	stream.linear.scatter [tilespmem:s22], [sflag:$0x6], $0x4000, $0x38;
	[tilespmem:$0x10800] =	vst v63  }
0x147: {  	_ =	swait.ge [sflag:s23], $0x4000  }
0x148: {  	[sflag:s23] =	ssyncset.done $0x0  }
0x149: {  	[sflag:s23] =	ssyncadd.s32 $0xFFFFC000  }
0x14a: {  	[tilespmem:s22], [sflag:$0x1] =	stream.indirect.gather [hbm4b:s15+s6], $0x80, s31, s6, $0xb8;
	[tilespmem:$0x10800] =	vst v63  }
0x14b: {  	_ =	swait.ge [sflag:s20], $0x4000  }
0x14c: {  	[sflag:s20] =	ssyncset.done $0x0  }
0x14d: {  	s31 =	rddreg [dreg:$0x10];
	[sflag:s20] =	ssyncadd.s32 $0xFFFFC000  }
0x14e: {  	[hbm4b:s31+s2] =	stream.linear.scatter [tilespmem:s18], [sflag:$0x6], $0x4000, $0x38;
	[tilespmem:$0x10800] =	vst v63  }
0x14f: {  	_ =	swait.ge [sflag:s23], $0x4000  }
0x150: {  	[sflag:s23] =	ssyncset.done $0x0  }
0x151: {  	[sflag:s23] =	ssyncadd.s32 $0xFFFFC000  }
0x152: {  	[tilespmem:s18], [sflag:$0x2] =	stream.indirect.gather [hbm4b:s15+s6], $0x80, s30, s6, $0xb8;
	[tilespmem:$0x10800] =	vst v63  }
0x153: {  	_ =	swait.ge [sflag:s24], $0x4000  }
0x154: {  	[sflag:s24] =	ssyncset.done $0x0  }
0x155: {  	s1 =	rddreg [dreg:$0x11];
	[sflag:s24] =	ssyncadd.s32 $0xFFFFC000  }
0x156: {  	[hbm4b:s1+s2] =	stream.linear.scatter [tilespmem:s22], [sflag:$0x6], $0x4000, $0x38;
	[tilespmem:$0x10800] =	vst v63  }
0x157: {  	_ =	swait.ge [sflag:s23], $0x4000  }
0x158: {  	[sflag:s23] =	ssyncset.done $0x0  }
0x159: {  	[sflag:s23] =	ssyncadd.s32 $0xFFFFC000  }
0x15a: {  	[tilespmem:s22], [sflag:$0x1] =	stream.indirect.gather [hbm4b:s15+s6], $0x80, s29, s6, $0xb8;
	[tilespmem:$0x10800] =	vst v63  }
0x15b: {  	_ =	swait.ge [sflag:s20], $0x4000  }
0x15c: {  	[sflag:s20] =	ssyncset.done $0x0  }
0x15d: {  	s29 =	rddreg [dreg:$0x12];
	[sflag:s20] =	ssyncadd.s32 $0xFFFFC000  }
0x15e: {  	[hbm4b:s29+s2] =	stream.linear.scatter [tilespmem:s18], [sflag:$0x6], $0x4000, $0x38;
	[tilespmem:$0x10800] =	vst v63  }
0x15f: {  	_ =	swait.ge [sflag:s23], $0x4000  }
0x160: {  	[sflag:s23] =	ssyncset.done $0x0  }
0x161: {  	[sflag:s23] =	ssyncadd.s32 $0xFFFFC000  }
0x162: {  	[tilespmem:s18], [sflag:$0x2] =	stream.indirect.gather [hbm4b:s15+s6], $0x80, s28, s6, $0xb8;
	[tilespmem:$0x10800] =	vst v63  }
0x163: {  	_ =	swait.ge [sflag:s24], $0x4000  }
0x164: {  	[sflag:s24] =	ssyncset.done $0x0  }
0x165: {  	s30 =	rddreg [dreg:$0x13];
	[sflag:s24] =	ssyncadd.s32 $0xFFFFC000  }
0x166: {  	[hbm4b:s30+s2] =	stream.linear.scatter [tilespmem:s22], [sflag:$0x6], $0x4000, $0x38;
	[tilespmem:$0x10800] =	vst v63  }
0x167: {  	_ =	swait.ge [sflag:s23], $0x4000  }
0x168: {  	[sflag:s23] =	ssyncset.done $0x0  }
0x169: {  	[sflag:s23] =	ssyncadd.s32 $0xFFFFC000  }
0x16a: {  	[tilespmem:s22], [sflag:$0x1] =	stream.indirect.gather [hbm4b:s15+s6], $0x80, s26, s6, $0xb8;
	[tilespmem:$0x10800] =	vst v63  }
0x16b: {  	_ =	swait.ge [sflag:s20], $0x4000  }
0x16c: {  	[sflag:s20] =	ssyncset.done $0x0  }
0x16d: {  	s31 =	rddreg [dreg:$0x14];
	[sflag:s20] =	ssyncadd.s32 $0xFFFFC000  }
0x16e: {  	[hbm4b:s31+s2] =	stream.linear.scatter [tilespmem:s18], [sflag:$0x5], $0x4000, $0x38;
	[tilespmem:$0x10800] =	vst v63  }
0x16f: {  	_ =	swait.ge [sflag:s5], $0x4000  }
0x170: {  	[sflag:s5] =	ssyncset.done $0x0  }
0x171: {  	[sflag:s5] =	ssyncadd.s32 $0xFFFFC000  }
0x172: {  	[tilespmem:s18], [sflag:$0x2] =	stream.indirect.gather [hbm4b:s15+s6], $0x80, s25, s6, $0xb8;
	[tilespmem:$0x10800] =	vst v63  }
0x173: {  	_ =	swait.ge [sflag:s24], $0x4000  }
0x174: {  	[sflag:s24] =	ssyncset.done $0x0  }
0x175: {  	s1 =	rddreg [dreg:$0x15];
	[sflag:s24] =	ssyncadd.s32 $0xFFFFC000  }
0x176: {  	[hbm4b:s1+s2] =	stream.linear.scatter [tilespmem:s22], [sflag:$0x6], $0x4000, $0x38;
	[tilespmem:$0x10800] =	vst v63  }
0x177: {  	_ =	swait.ge [sflag:s23], $0x4000  }
0x178: {  	[sflag:s23] =	ssyncset.done $0x0  }
0x179: {  	[sflag:s23] =	ssyncadd.s32 $0xFFFFC000  }
0x17a: {  	_ =	swait.ge [sflag:s20], $0x4000  }
0x17b: {  	[sflag:s20] =	ssyncset.done $0x0  }
0x17c: {  	s15 =	rddreg [dreg:$0x16];
	[sflag:s20] =	ssyncadd.s32 $0xFFFFC000  }
0x17d: {  	[hbm4b:s15+s2] =	stream.linear.scatter [tilespmem:s18], [sflag:$0x5], $0x4000, $0x38;
	[tilespmem:$0x10800] =	vst v63  }
0x17e: {  	_ =	swait.ge [sflag:s5], $0x4000  }
0x17f: {  	[sflag:s5] =	ssyncset.done $0x0  }
0x180: {  	[sflag:s5] =	ssyncadd.s32 $0xFFFFC000  }
0x181: {  	[tilespmem:s8], [sflag:$0x3] =	stream.indirect.gather [hbm4b:s3+s6], $0x80, s16, s6, $0xb8;
	[tilespmem:$0x10800] =	vst v63  }
0x182: {  	_ = 	snop  }
0x183: {  	[tilespmem:s7], [sflag:$0x4] =	stream.indirect.gather [hbm4b:s3+s6], $0x80, s21, s6, $0xb8;
	[tilespmem:$0x10800] =	vst v63  }
0x184: {  	_ =	swait.ge [sflag:s10], $0x4000  }
0x185: {  	[sflag:s10] =	ssyncset.done $0x0  }
0x186: {  	s22 =	rddreg [dreg:$0x7];
	[sflag:s10] =	ssyncadd.s32 $0xFFFFC000  }
0x187: {  	[hbm4b:s22+s2] =	stream.linear.scatter [tilespmem:s8], [sflag:$0x5], $0x4000, $0x38;
	[tilespmem:$0x10800] =	vst v63  }
0x188: {  	_ =	swait.ge [sflag:s5], $0x4000  }
0x189: {  	[sflag:s5] =	ssyncset.done $0x0  }
0x18a: {  	[sflag:s5] =	ssyncadd.s32 $0xFFFFC000  }
0x18b: {  	[tilespmem:s8], [sflag:$0x3] =	stream.indirect.gather [hbm4b:s3+s6], $0x80, s19, s6, $0xb8;
	[tilespmem:$0x10800] =	vst v63  }
0x18c: {  	_ =	swait.ge [sflag:s9], $0x4000  }
0x18d: {  	[sflag:s9] =	ssyncset.done $0x0  }
0x18e: {  	s23 =	rddreg [dreg:$0x8];
	[sflag:s9] =	ssyncadd.s32 $0xFFFFC000  }
0x18f: {  	[hbm4b:s23+s2] =	stream.linear.scatter [tilespmem:s7], [sflag:$0x5], $0x4000, $0x38;
	[tilespmem:$0x10800] =	vst v63  }
0x190: {  	_ =	swait.ge [sflag:s5], $0x4000  }
0x191: {  	[sflag:s5] =	ssyncset.done $0x0  }
0x192: {  	[sflag:s5] =	ssyncadd.s32 $0xFFFFC000  }
0x193: {  	[tilespmem:s7], [sflag:$0x4] =	stream.indirect.gather [hbm4b:s3+s6], $0x80, s17, s6, $0xb8;
	[tilespmem:$0x10800] =	vst v63  }
0x194: {  	_ =	swait.ge [sflag:s10], $0x4000  }
0x195: {  	[sflag:s10] =	ssyncset.done $0x0  }
0x196: {  	s24 =	rddreg [dreg:$0x9];
	[sflag:s10] =	ssyncadd.s32 $0xFFFFC000  }
0x197: {  	[hbm4b:s24+s2] =	stream.linear.scatter [tilespmem:s8], [sflag:$0x5], $0x4000, $0x38;
	[tilespmem:$0x10800] =	vst v63  }
0x198: {  	_ =	swait.ge [sflag:s5], $0x4000  }
0x199: {  	[sflag:s5] =	ssyncset.done $0x0  }
0x19a: {  	[sflag:s5] =	ssyncadd.s32 $0xFFFFC000  }
0x19b: {  	_ =	swait.ge [sflag:s9], $0x4000  }
0x19c: {  	[sflag:s9] =	ssyncset.done $0x0  }
0x19d: {  	s25 =	rddreg [dreg:$0xa];
	[sflag:s9] =	ssyncadd.s32 $0xFFFFC000  }
0x19e: {  	[hbm4b:s25+s2] =	stream.linear.scatter [tilespmem:s7], [sflag:$0x5], $0x4000, $0x38;
	[tilespmem:$0x10800] =	vst v63  }
0x19f: {  	_ =	swait.ge [sflag:s5], $0x4000  }
0x1a0: {  	[sflag:s5] =	ssyncset.done $0x0  }
0x1a1: {  	[sflag:s5] =	ssyncadd.s32 $0xFFFFC000  }
0x1a2: {  	[tilespmem:s8], [sflag:$0x3] =	stream.indirect.gather [hbm4b:s4+s6], $0x80, s13, s6, $0xb8;
	[tilespmem:$0x10800] =	vst v63  }
0x1a3: {  	_ = 	snop  }
0x1a4: {  	[tilespmem:s7], [sflag:$0x4] =	stream.indirect.gather [hbm4b:s4+s6], $0x80, s14, s6, $0xb8;
	[tilespmem:$0x10800] =	vst v63  }
0x1a5: {  	_ =	swait.ge [sflag:s10], $0x4000  }
0x1a6: {  	[sflag:s10] =	ssyncset.done $0x0  }
0x1a7: {  	s26 =	rddreg [dreg:$0xb];
	[sflag:s10] =	ssyncadd.s32 $0xFFFFC000  }
0x1a8: {  	[hbm4b:s26+s2] =	stream.linear.scatter [tilespmem:s8], [sflag:$0x5], $0x4000, $0x38;
	[tilespmem:$0x10800] =	vst v63  }
0x1a9: {  	_ =	swait.ge [sflag:s5], $0x4000  }
0x1aa: {  	[sflag:s5] =	ssyncset.done $0x0  }
0x1ab: {  	[sflag:s5] =	ssyncadd.s32 $0xFFFFC000  }
0x1ac: {  	[tilespmem:s8], [sflag:$0x3] =	stream.indirect.gather [hbm4b:s4+s6], $0x80, s12, s6, $0xb8;
	[tilespmem:$0x10800] =	vst v63  }
0x1ad: {  	_ =	swait.ge [sflag:s9], $0x4000  }
0x1ae: {  	[sflag:s9] =	ssyncset.done $0x0  }
0x1af: {  	s28 =	rddreg [dreg:$0xc];
	[sflag:s9] =	ssyncadd.s32 $0xFFFFC000  }
0x1b0: {  	[hbm4b:s28+s2] =	stream.linear.scatter [tilespmem:s7], [sflag:$0x5], $0x4000, $0x38;
	[tilespmem:$0x10800] =	vst v63  }
0x1b1: {  	_ =	swait.ge [sflag:s5], $0x4000  }
0x1b2: {  	[sflag:s5] =	ssyncset.done $0x0  }
0x1b3: {  	[sflag:s5] =	ssyncadd.s32 $0xFFFFC000  }
0x1b4: {  	[tilespmem:s7], [sflag:$0x4] =	stream.indirect.gather [hbm4b:s4+s6], $0x80, s11, s6, $0xb8;
	[tilespmem:$0x10800] =	vst v63  }
0x1b5: {  	_ =	swait.ge [sflag:s10], $0x4000  }
0x1b6: {  	[sflag:s10] =	ssyncset.done $0x0  }
0x1b7: {  	s29 =	rddreg [dreg:$0xd];
	[sflag:s10] =	ssyncadd.s32 $0xFFFFC000  }
0x1b8: {  	[hbm4b:s29+s2] =	stream.linear.scatter [tilespmem:s8], [sflag:$0x5], $0x4000, $0x38;
	[tilespmem:$0x10800] =	vst v63  }
0x1b9: {  	_ =	swait.ge [sflag:s5], $0x4000  }
0x1ba: {  	[sflag:s5] =	ssyncset.done $0x0  }
0x1bb: {  	[sflag:s5] =	ssyncadd.s32 $0xFFFFC000  }
0x1bc: {  	_ =	swait.ge [sflag:s9], $0x4000  }
0x1bd: {  	[sflag:s9] =	ssyncset.done $0x0  }
0x1be: {  	s30 =	rddreg [dreg:$0xe];
	[sflag:s9] =	ssyncadd.s32 $0xFFFFC000  }
0x1bf: {  	[hbm4b:s30+s2] =	stream.linear.scatter [tilespmem:s7], [sflag:$0x5], $0x4000, $0x38;
	[tilespmem:$0x10800] =	vst v63  }
0x1c0: {  	_ =	swait.ge [sflag:s5], $0x4000  }
0x1c1: {  	[sflag:s5] =	ssyncset.done $0x0  }
0x1c2: {  	[sflag:s5] =	ssyncadd.s32 $0xFFFFC000  }
0x1c3: {  	_ =	sfence.sel $0x180000  }
0x1c4: {  	[bflag:$0x0] =	sbarrier.arrive $0xFFFF  }
0x1c5: {  	_ =	strace $0x90000047  }
0x1c6: {  	s31 =	stileid.u32;
	[bflag:$0x2] =	sbarrier.arrive $0xFFFF  }
0x1c7: {  	p0 =	sne.s32 s31, $0x0;
	s0 =	rddreg [dreg:$0x4]  }
0x1c8: {  	s0 =	sadd.s32 @!p0 $0x100000, s0  }
0x1c9: {  	[sflag:s0] =	ssyncadd.tile.s32 @!p0 $0x1;
	_ =	shalt  }
.Lfunc_end2:
_tile_overlayer_lowered:
.L_overlay_start_2:
0x1ca: {  	(tag) =	ssettag $0x2  }
0x1cb: {  	s0 =	rddreg [dreg:$0x0];
	s2 =	stileid.u32  }
0x1cc: {  	s1 =	rddreg [dreg:$0x1];
	p0 =	sne.s32 s2, $0x0  }
0x1cd: {  	s3 =	rddreg [dreg:$0x2];
	[bflag:$0x3] =	sbarrier.arrive $0xFFFF;
	s2 =	simm.s32 @!p0 $0x1C05  }
0x1ce: {  	[timem:s3], [sflag:s2] =	dma.local @!p0 [hbm:s0], s1  }
0x1cf: {  	s0 =	simm.s32 @!p0 $0x5  }
0x1d0: {  	_ =	swait.ge @!p0 [sflag:s0], s1  }
0x1d1: {  	s1 =	ssub.s32 @!p0 $0x0, s1;
	[sflag:s0] =	ssyncset.done @!p0 $0x0  }
0x1d2: {  	[sflag:s0] =	ssyncadd.s32 @!p0 s1  }
0x1d3: {  	[bflag:$0x3] =	sbarrier.arrive $0xFFFF  }
0x1d4: {  	_ =	shalt  }

</sc_bundles>
